<compile_context>
chip_gen: v7x
topology: tpu7x:2x2x1
jax: 0.10.2.dev20260603
libtpu: 0.0.44.dev20260713+nightly
codegen_flags: <defaults>
</compile_context>

<pallas_src>
import functools

import jax
import jax.numpy as jnp
from jax import lax
from jax.experimental import pallas as pl
from jax.experimental.pallas import tpu as pltpu
from jax.experimental.pallas import tpu_sc as plsc

_NC = 2
_NS = 16
_NW = _NC * _NS
_NBUF = 3
_MAIN = 48


@functools.partial(jax.jit, static_argnums=(3,))
def _sc_gather(table, idx_main, idx_tail, b):
    _, d = table.shape
    nw, eps_per_w, _ = idx_main.shape
    l = _MAIN + idx_tail.shape[2]
    nrounds = eps_per_w // _NBUF
    nrem = eps_per_w - nrounds * _NBUF
    mesh = plsc.VectorSubcoreMesh(core_axis_name="c", subcore_axis_name="s")

    @functools.partial(
        pl.kernel,
        mesh=mesh,
        out_type=jax.ShapeDtypeStruct((b, l, d), jnp.float32),
        compiler_params=pltpu.CompilerParams(needs_layout_passes=True),
        scratch_types=[
            pltpu.VMEM((eps_per_w, _MAIN), jnp.int32),
            pltpu.VMEM((eps_per_w, 2), jnp.int32),
            [pltpu.VMEM((_MAIN, d), jnp.float32) for _ in range(_NBUF)],
            [pltpu.VMEM((2, d), jnp.float32) for _ in range(_NBUF)],
            [pltpu.SemaphoreType.DMA for _ in range(_NBUF)],
            [pltpu.SemaphoreType.DMA for _ in range(_NBUF)],
        ],
    )
    def k(table_hbm, idxm_hbm, idxt_hbm, out_hbm,
          idxm_v, idxt_v, bufs, tbufs, gsems, wsems):
        wid = lax.axis_index("s") * _NC + lax.axis_index("c")
        base = wid * eps_per_w
        pltpu.sync_copy(idxm_hbm.at[wid], idxm_v)
        pltpu.sync_copy(idxt_hbm.at[wid], idxt_v)

        def start_gather(q, e):
            pltpu.async_copy(table_hbm.at[idxm_v.at[e]], bufs[q], gsems[q])
            pltpu.async_copy(table_hbm.at[idxt_v.at[e]], tbufs[q], gsems[q])

        def wait_gather(q, e):
            pltpu.make_async_copy(
                table_hbm.at[idxm_v.at[e]], bufs[q], gsems[q]).wait()
            pltpu.make_async_copy(
                table_hbm.at[idxt_v.at[e]], tbufs[q], gsems[q]).wait()

        def start_write(q, e):
            pltpu.async_copy(
                bufs[q], out_hbm.at[e, pl.ds(0, _MAIN)], wsems[q])
            pltpu.async_copy(
                tbufs[q], out_hbm.at[e, pl.ds(_MAIN, l - _MAIN)], wsems[q])

        def wait_write(q):
            pltpu.make_async_copy(
                bufs[q], out_hbm.at[base, pl.ds(0, _MAIN)], wsems[q]).wait()
            pltpu.make_async_copy(
                tbufs[q], out_hbm.at[base, pl.ds(_MAIN, l - _MAIN)],
                wsems[q]).wait()

        for q in range(_NBUF):
            start_gather(q, q)

        @pl.loop(0, nrounds)
        def _(t):
            c = t * _NBUF
            for q in range(_NBUF):
                wait_gather(q, c + q)
                start_write(q, base + c + q)

            @pl.when(t + 1 < nrounds)
            def _():
                for q in range(_NBUF):
                    wait_write(q)
                    start_gather(q, c + _NBUF + q)

        for q in range(nrem):
            e = nrounds * _NBUF + q
            wait_write(q)
            start_gather(q, e)
        for q in range(nrem):
            e = nrounds * _NBUF + q
            wait_gather(q, e)
            start_write(q, base + e)

        for q in range(_NBUF):
            wait_write(q)

    return k(table, idx_main, idx_tail)


def kernel(timesteps, table):
    b, l, _ = timesteps.shape
    eps_per_w = b // _NW
    idx = timesteps.astype(jnp.int32).reshape(_NW, eps_per_w, l)
    return _sc_gather(table, idx[:, :, :_MAIN], idx[:, :, _MAIN:], b)

# --- scband reference (transcript-rebuilt; emitter-appended) ---
"""Pipeline reference for scband-time-embedding-4380866642241 (READ-ONLY COPY).

The authoritative reference and input builder live on the scoring server;
editing this copy changes nothing except your own understanding.
"""

import jax, jax.numpy as jnp
import numpy as np

MAX_EP_LEN = 4096
PLM_EMBED_SIZE = 768


def setup_inputs(seed: int = 0) -> dict:
    key = jax.random.key(seed)
    k_idx, k_tab = jax.random.split(key)
    timesteps = jax.random.randint(k_idx, (1024, 50, 1), 0, MAX_EP_LEN + 1, dtype=jnp.int64 if jax.config.read('jax_enable_x64') else jnp.int32)
    table = jax.random.normal(k_tab, (MAX_EP_LEN + 1, PLM_EMBED_SIZE), dtype=jnp.float32)
    return {"timesteps": timesteps, "table": table}


def reference(timesteps, table):
    # nn.Embedding lookup: table[timesteps] -> [B, L, 1, D]; squeeze(dim=2) -> [B, L, D]
    x = jnp.take(table, timesteps, axis=0)
    x = jnp.squeeze(x, axis=2)
    return x

if __name__ == "__main__":
    import jax
    _d = setup_inputs()
    print(jax.jit(kernel)(*tuple(_d.values())))

</pallas_src>

<mosaic_0001>
#map = affine_map<(d0, d1) -> (0, 0)>
#map1 = affine_map<(d0, d1) -> (0, 0, 0)>
module attributes {stable_mosaic.version = 14 : i64} {
  func.func @k(%arg0: i32, %arg1: i32, %arg2: memref<4097x768xf32, #tpu.memory_space<hbm>>, %arg3: memref<32x32x48xi32, #tpu.memory_space<hbm>>, %arg4: memref<32x32x2xi32, #tpu.memory_space<hbm>>, %arg5: memref<1024x50x768xf32, #tpu.memory_space<hbm>>, %arg6: memref<32x48xi32, #tpu.memory_space<vmem>>, %arg7: memref<32x2xi32, #tpu.memory_space<vmem>>, %arg8: memref<48x768xf32, #tpu.memory_space<vmem>>, %arg9: memref<48x768xf32, #tpu.memory_space<vmem>>, %arg10: memref<48x768xf32, #tpu.memory_space<vmem>>, %arg11: memref<2x768xf32, #tpu.memory_space<vmem>>, %arg12: memref<2x768xf32, #tpu.memory_space<vmem>>, %arg13: memref<2x768xf32, #tpu.memory_space<vmem>>, %arg14: memref<!tpu.dma_semaphore, #tpu.memory_space<semaphore_mem>>, %arg15: memref<!tpu.dma_semaphore, #tpu.memory_space<semaphore_mem>>, %arg16: memref<!tpu.dma_semaphore, #tpu.memory_space<semaphore_mem>>, %arg17: memref<!tpu.dma_semaphore, #tpu.memory_space<semaphore_mem>>, %arg18: memref<!tpu.dma_semaphore, #tpu.memory_space<semaphore_mem>>, %arg19: memref<!tpu.dma_semaphore, #tpu.memory_space<semaphore_mem>>) attributes {dimension_semantics = [#tpu.dimension_semantics<core_parallel>, #tpu.dimension_semantics<subcore_parallel>], iteration_bounds = array<i64: 2, 16>, scalar_prefetch = 0 : i64, scratch_operands = 14 : i64, tpu.core_type = #tpu.core_type<sc_vector_subcore>, window_params = [{transform_indices = #map}, {transform_indices = #map1}, {transform_indices = #map1}, {transform_indices = #map1}]} {
    %mul3A = arith.constant 2 : i32
    %mul3A_0 = arith.muli %arg1, %mul3A : i32
    %add3A = arith.addi %mul3A_0, %arg0 : i32
    %mul3A_1 = arith.constant 32 : i32
    %mul3A_2 = arith.muli %add3A, %mul3A_1 : i32
    "tpu.region"() ({
      %run_scoped3A = tpu.sem_alloc : memref<!tpu.dma_semaphore, #tpu.memory_space<semaphore_mem>>
      %dma_start3A_219 = arith.constant 0 : i32
      %dma_start3A_220 = arith.constant 0 : i32
      %dma_start3A_221 = tpu.memref_slice %arg3[%add3A, %dma_start3A_219, %dma_start3A_220] : memref<32x32x48xi32, #tpu.memory_space<hbm>> -> memref<1x32x48xi32, #tpu.memory_space<hbm>>
      %dma_start3A_222 = tpu.memref_squeeze %dma_start3A_221 : memref<1x32x48xi32, #tpu.memory_space<hbm>> -> memref<32x48xi32, #tpu.memory_space<hbm>>
      %dma_start3A_223 = arith.constant 0 : i32
      %dma_start3A_224 = arith.constant 0 : i32
      %dma_start3A_225 = tpu.memref_slice %arg3[%add3A, %dma_start3A_223, %dma_start3A_224] : memref<32x32x48xi32, #tpu.memory_space<hbm>> -> memref<1x32x48xi32, #tpu.memory_space<hbm>>
      %dma_start3A_226 = tpu.memref_squeeze %dma_start3A_225 : memref<1x32x48xi32, #tpu.memory_space<hbm>> -> memref<32x48xi32, #tpu.memory_space<hbm>>
      tpu.enqueue_dma source(%dma_start3A_226 : memref<32x48xi32, #tpu.memory_space<hbm>>) target(%arg6 : memref<32x48xi32, #tpu.memory_space<vmem>>) target_semaphore(%run_scoped3A : memref<!tpu.dma_semaphore, #tpu.memory_space<semaphore_mem>>)
      %dma_wait3A_227 = arith.constant 0 : i32
      %dma_wait3A_228 = arith.constant 0 : i32
      %dma_wait3A_229 = tpu.memref_slice %arg3[%add3A, %dma_wait3A_227, %dma_wait3A_228] : memref<32x32x48xi32, #tpu.memory_space<hbm>> -> memref<1x32x48xi32, #tpu.memory_space<hbm>>
      %dma_wait3A_230 = tpu.memref_squeeze %dma_wait3A_229 : memref<1x32x48xi32, #tpu.memory_space<hbm>> -> memref<32x48xi32, #tpu.memory_space<hbm>>
      %dma_wait3A_231 = arith.constant 0 : i32
      %dma_wait3A_232 = arith.constant 0 : i32
      %dma_wait3A_233 = tpu.memref_slice %arg3[%add3A, %dma_wait3A_231, %dma_wait3A_232] : memref<32x32x48xi32, #tpu.memory_space<hbm>> -> memref<1x32x48xi32, #tpu.memory_space<hbm>>
      %dma_wait3A_234 = tpu.memref_squeeze %dma_wait3A_233 : memref<1x32x48xi32, #tpu.memory_space<hbm>> -> memref<32x48xi32, #tpu.memory_space<hbm>>
      tpu.wait_dma2 semaphore(%run_scoped3A : memref<!tpu.dma_semaphore, #tpu.memory_space<semaphore_mem>>) src(%dma_wait3A_234 : memref<32x48xi32, #tpu.memory_space<hbm>>) dst(%arg6 : memref<32x48xi32, #tpu.memory_space<vmem>>)
      tpu.yield
    }) : () -> ()
    "tpu.region"() ({
      %run_scoped3A = tpu.sem_alloc : memref<!tpu.dma_semaphore, #tpu.memory_space<semaphore_mem>>
      %dma_start3A_219 = arith.constant 0 : i32
      %dma_start3A_220 = arith.constant 0 : i32
      %dma_start3A_221 = tpu.memref_slice %arg4[%add3A, %dma_start3A_219, %dma_start3A_220] : memref<32x32x2xi32, #tpu.memory_space<hbm>> -> memref<1x32x2xi32, #tpu.memory_space<hbm>>
      %dma_start3A_222 = tpu.memref_squeeze %dma_start3A_221 : memref<1x32x2xi32, #tpu.memory_space<hbm>> -> memref<32x2xi32, #tpu.memory_space<hbm>>
      %dma_start3A_223 = arith.constant 0 : i32
      %dma_start3A_224 = arith.constant 0 : i32
      %dma_start3A_225 = tpu.memref_slice %arg4[%add3A, %dma_start3A_223, %dma_start3A_224] : memref<32x32x2xi32, #tpu.memory_space<hbm>> -> memref<1x32x2xi32, #tpu.memory_space<hbm>>
      %dma_start3A_226 = tpu.memref_squeeze %dma_start3A_225 : memref<1x32x2xi32, #tpu.memory_space<hbm>> -> memref<32x2xi32, #tpu.memory_space<hbm>>
      tpu.enqueue_dma source(%dma_start3A_226 : memref<32x2xi32, #tpu.memory_space<hbm>>) target(%arg7 : memref<32x2xi32, #tpu.memory_space<vmem>>) target_semaphore(%run_scoped3A : memref<!tpu.dma_semaphore, #tpu.memory_space<semaphore_mem>>)
      %dma_wait3A_227 = arith.constant 0 : i32
      %dma_wait3A_228 = arith.constant 0 : i32
      %dma_wait3A_229 = tpu.memref_slice %arg4[%add3A, %dma_wait3A_227, %dma_wait3A_228] : memref<32x32x2xi32, #tpu.memory_space<hbm>> -> memref<1x32x2xi32, #tpu.memory_space<hbm>>
      %dma_wait3A_230 = tpu.memref_squeeze %dma_wait3A_229 : memref<1x32x2xi32, #tpu.memory_space<hbm>> -> memref<32x2xi32, #tpu.memory_space<hbm>>
      %dma_wait3A_231 = arith.constant 0 : i32
      %dma_wait3A_232 = arith.constant 0 : i32
      %dma_wait3A_233 = tpu.memref_slice %arg4[%add3A, %dma_wait3A_231, %dma_wait3A_232] : memref<32x32x2xi32, #tpu.memory_space<hbm>> -> memref<1x32x2xi32, #tpu.memory_space<hbm>>
      %dma_wait3A_234 = tpu.memref_squeeze %dma_wait3A_233 : memref<1x32x2xi32, #tpu.memory_space<hbm>> -> memref<32x2xi32, #tpu.memory_space<hbm>>
      tpu.wait_dma2 semaphore(%run_scoped3A : memref<!tpu.dma_semaphore, #tpu.memory_space<semaphore_mem>>) src(%dma_wait3A_234 : memref<32x2xi32, #tpu.memory_space<hbm>>) dst(%arg7 : memref<32x2xi32, #tpu.memory_space<vmem>>)
      tpu.yield
    }) : () -> ()
    %dma_start3A = arith.constant 0 : i32
    %dma_start3A_3 = arith.constant 0 : i32
    %dma_start3A_4 = tpu.memref_slice %arg6[%dma_start3A, %dma_start3A_3] : memref<32x48xi32, #tpu.memory_space<vmem>> -> memref<1x48xi32, #tpu.memory_space<vmem>>
    %dma_start3A_5 = tpu.memref_squeeze %dma_start3A_4 : memref<1x48xi32, #tpu.memory_space<vmem>> -> memref<48xi32, #tpu.memory_space<vmem>>
    %dma_start3A_6 = arith.constant 0 : i32
    %dma_start3A_7 = arith.constant 0 : i32
    %dma_start3A_8 = tpu.memref_slice %arg2[%dma_start3A_6, %dma_start3A_7] : memref<4097x768xf32, #tpu.memory_space<hbm>> -> memref<4097x768xf32, #tpu.memory_space<hbm>>
    tpu.enqueue_indirect_dma source(%dma_start3A_8 : memref<4097x768xf32, #tpu.memory_space<hbm>>) target(%arg8 : memref<48x768xf32, #tpu.memory_space<vmem>>) offsets(%dma_start3A_5 : memref<48xi32, #tpu.memory_space<vmem>>) semaphore(%arg14 : memref<!tpu.dma_semaphore, #tpu.memory_space<semaphore_mem>>)
    %dma_start3A_9 = arith.constant 0 : i32
    %dma_start3A_10 = arith.constant 0 : i32
    %dma_start3A_11 = tpu.memref_slice %arg7[%dma_start3A_9, %dma_start3A_10] : memref<32x2xi32, #tpu.memory_space<vmem>> -> memref<1x2xi32, #tpu.memory_space<vmem>>
    %dma_start3A_12 = tpu.memref_squeeze %dma_start3A_11 : memref<1x2xi32, #tpu.memory_space<vmem>> -> memref<2xi32, #tpu.memory_space<vmem>>
    %dma_start3A_13 = arith.constant 0 : i32
    %dma_start3A_14 = arith.constant 0 : i32
    %dma_start3A_15 = tpu.memref_slice %arg2[%dma_start3A_13, %dma_start3A_14] : memref<4097x768xf32, #tpu.memory_space<hbm>> -> memref<4097x768xf32, #tpu.memory_space<hbm>>
    tpu.enqueue_indirect_dma source(%dma_start3A_15 : memref<4097x768xf32, #tpu.memory_space<hbm>>) target(%arg11 : memref<2x768xf32, #tpu.memory_space<vmem>>) offsets(%dma_start3A_12 : memref<2xi32, #tpu.memory_space<vmem>>) semaphore(%arg14 : memref<!tpu.dma_semaphore, #tpu.memory_space<semaphore_mem>>)
    %dma_start3A_16 = arith.constant 1 : i32
    %dma_start3A_17 = arith.constant 0 : i32
    %dma_start3A_18 = tpu.memref_slice %arg6[%dma_start3A_16, %dma_start3A_17] : memref<32x48xi32, #tpu.memory_space<vmem>> -> memref<1x48xi32, #tpu.memory_space<vmem>>
    %dma_start3A_19 = tpu.memref_squeeze %dma_start3A_18 : memref<1x48xi32, #tpu.memory_space<vmem>> -> memref<48xi32, #tpu.memory_space<vmem>>
    %dma_start3A_20 = arith.constant 0 : i32
    %dma_start3A_21 = arith.constant 0 : i32
    %dma_start3A_22 = tpu.memref_slice %arg2[%dma_start3A_20, %dma_start3A_21] : memref<4097x768xf32, #tpu.memory_space<hbm>> -> memref<4097x768xf32, #tpu.memory_space<hbm>>
    tpu.enqueue_indirect_dma source(%dma_start3A_22 : memref<4097x768xf32, #tpu.memory_space<hbm>>) target(%arg9 : memref<48x768xf32, #tpu.memory_space<vmem>>) offsets(%dma_start3A_19 : memref<48xi32, #tpu.memory_space<vmem>>) semaphore(%arg15 : memref<!tpu.dma_semaphore, #tpu.memory_space<semaphore_mem>>)
    %dma_start3A_23 = arith.constant 1 : i32
    %dma_start3A_24 = arith.constant 0 : i32
    %dma_start3A_25 = tpu.memref_slice %arg7[%dma_start3A_23, %dma_start3A_24] : memref<32x2xi32, #tpu.memory_space<vmem>> -> memref<1x2xi32, #tpu.memory_space<vmem>>
    %dma_start3A_26 = tpu.memref_squeeze %dma_start3A_25 : memref<1x2xi32, #tpu.memory_space<vmem>> -> memref<2xi32, #tpu.memory_space<vmem>>
    %dma_start3A_27 = arith.constant 0 : i32
    %dma_start3A_28 = arith.constant 0 : i32
    %dma_start3A_29 = tpu.memref_slice %arg2[%dma_start3A_27, %dma_start3A_28] : memref<4097x768xf32, #tpu.memory_space<hbm>> -> memref<4097x768xf32, #tpu.memory_space<hbm>>
    tpu.enqueue_indirect_dma source(%dma_start3A_29 : memref<4097x768xf32, #tpu.memory_space<hbm>>) target(%arg12 : memref<2x768xf32, #tpu.memory_space<vmem>>) offsets(%dma_start3A_26 : memref<2xi32, #tpu.memory_space<vmem>>) semaphore(%arg15 : memref<!tpu.dma_semaphore, #tpu.memory_space<semaphore_mem>>)
    %dma_start3A_30 = arith.constant 2 : i32
    %dma_start3A_31 = arith.constant 0 : i32
    %dma_start3A_32 = tpu.memref_slice %arg6[%dma_start3A_30, %dma_start3A_31] : memref<32x48xi32, #tpu.memory_space<vmem>> -> memref<1x48xi32, #tpu.memory_space<vmem>>
    %dma_start3A_33 = tpu.memref_squeeze %dma_start3A_32 : memref<1x48xi32, #tpu.memory_space<vmem>> -> memref<48xi32, #tpu.memory_space<vmem>>
    %dma_start3A_34 = arith.constant 0 : i32
    %dma_start3A_35 = arith.constant 0 : i32
    %dma_start3A_36 = tpu.memref_slice %arg2[%dma_start3A_34, %dma_start3A_35] : memref<4097x768xf32, #tpu.memory_space<hbm>> -> memref<4097x768xf32, #tpu.memory_space<hbm>>
    tpu.enqueue_indirect_dma source(%dma_start3A_36 : memref<4097x768xf32, #tpu.memory_space<hbm>>) target(%arg10 : memref<48x768xf32, #tpu.memory_space<vmem>>) offsets(%dma_start3A_33 : memref<48xi32, #tpu.memory_space<vmem>>) semaphore(%arg16 : memref<!tpu.dma_semaphore, #tpu.memory_space<semaphore_mem>>)
    %dma_start3A_37 = arith.constant 2 : i32
    %dma_start3A_38 = arith.constant 0 : i32
    %dma_start3A_39 = tpu.memref_slice %arg7[%dma_start3A_37, %dma_start3A_38] : memref<32x2xi32, #tpu.memory_space<vmem>> -> memref<1x2xi32, #tpu.memory_space<vmem>>
    %dma_start3A_40 = tpu.memref_squeeze %dma_start3A_39 : memref<1x2xi32, #tpu.memory_space<vmem>> -> memref<2xi32, #tpu.memory_space<vmem>>
    %dma_start3A_41 = arith.constant 0 : i32
    %dma_start3A_42 = arith.constant 0 : i32
    %dma_start3A_43 = tpu.memref_slice %arg2[%dma_start3A_41, %dma_start3A_42] : memref<4097x768xf32, #tpu.memory_space<hbm>> -> memref<4097x768xf32, #tpu.memory_space<hbm>>
    tpu.enqueue_indirect_dma source(%dma_start3A_43 : memref<4097x768xf32, #tpu.memory_space<hbm>>) target(%arg13 : memref<2x768xf32, #tpu.memory_space<vmem>>) offsets(%dma_start3A_40 : memref<2xi32, #tpu.memory_space<vmem>>) semaphore(%arg16 : memref<!tpu.dma_semaphore, #tpu.memory_space<semaphore_mem>>)
    %scan3A = arith.constant 0 : i32
    %scan3A_44 = arith.constant 10 : i32
    %scan3A_45 = arith.addi %scan3A, %scan3A_44 : i32
    %scan3A_46 = arith.constant 1 : i32
    scf.for %scan3A_219 = %scan3A to %scan3A_45 step %scan3A_46  : i32 {
      %mul3A_220 = arith.constant 1 : i32
      %mul3A_221 = arith.muli %scan3A_219, %mul3A_220 : i32
      %add3A_222 = arith.constant 0 : i32
      %add3A_223 = arith.addi %add3A_222, %mul3A_221 : i32
      %mul3A_224 = arith.constant 3 : i32
      %mul3A_225 = arith.muli %add3A_223, %mul3A_224 : i32
      %add3A_226 = arith.constant 0 : i32
      %add3A_227 = arith.addi %mul3A_225, %add3A_226 : i32
      %dma_wait3A_228 = arith.constant 0 : i32
      %dma_wait3A_229 = tpu.memref_slice %arg6[%add3A_227, %dma_wait3A_228] : memref<32x48xi32, #tpu.memory_space<vmem>> -> memref<1x48xi32, #tpu.memory_space<vmem>>
      %dma_wait3A_230 = tpu.memref_squeeze %dma_wait3A_229 : memref<1x48xi32, #tpu.memory_space<vmem>> -> memref<48xi32, #tpu.memory_space<vmem>>
      %dma_wait3A_231 = arith.constant 0 : i32
      %dma_wait3A_232 = arith.constant 0 : i32
      %dma_wait3A_233 = tpu.memref_slice %arg2[%dma_wait3A_231, %dma_wait3A_232] : memref<4097x768xf32, #tpu.memory_space<hbm>> -> memref<4097x768xf32, #tpu.memory_space<hbm>>
      tpu.wait_indirect_dma semaphore(%arg14 : memref<!tpu.dma_semaphore, #tpu.memory_space<semaphore_mem>>) src(%dma_wait3A_233 : memref<4097x768xf32, #tpu.memory_space<hbm>>) dst(%arg8 : memref<48x768xf32, #tpu.memory_space<vmem>>)
      %dma_wait3A_234 = arith.constant 0 : i32
      %dma_wait3A_235 = tpu.memref_slice %arg7[%add3A_227, %dma_wait3A_234] : memref<32x2xi32, #tpu.memory_space<vmem>> -> memref<1x2xi32, #tpu.memory_space<vmem>>
      %dma_wait3A_236 = tpu.memref_squeeze %dma_wait3A_235 : memref<1x2xi32, #tpu.memory_space<vmem>> -> memref<2xi32, #tpu.memory_space<vmem>>
      %dma_wait3A_237 = arith.constant 0 : i32
      %dma_wait3A_238 = arith.constant 0 : i32
      %dma_wait3A_239 = tpu.memref_slice %arg2[%dma_wait3A_237, %dma_wait3A_238] : memref<4097x768xf32, #tpu.memory_space<hbm>> -> memref<4097x768xf32, #tpu.memory_space<hbm>>
      tpu.wait_indirect_dma semaphore(%arg14 : memref<!tpu.dma_semaphore, #tpu.memory_space<semaphore_mem>>) src(%dma_wait3A_239 : memref<4097x768xf32, #tpu.memory_space<hbm>>) dst(%arg11 : memref<2x768xf32, #tpu.memory_space<vmem>>)
      %add3A_240 = arith.addi %mul3A_2, %mul3A_225 : i32
      %add3A_241 = arith.constant 0 : i32
      %add3A_242 = arith.addi %add3A_240, %add3A_241 : i32
      %dma_start3A_243 = arith.constant 0 : i32
      %dma_start3A_244 = arith.constant 0 : i32
      %dma_start3A_245 = tpu.memref_slice %arg5[%add3A_242, %dma_start3A_243, %dma_start3A_244] : memref<1024x50x768xf32, #tpu.memory_space<hbm>> -> memref<1x48x768xf32, #tpu.memory_space<hbm>>
      %dma_start3A_246 = tpu.memref_squeeze %dma_start3A_245 : memref<1x48x768xf32, #tpu.memory_space<hbm>> -> memref<48x768xf32, #tpu.memory_space<hbm>>
      %dma_start3A_247 = arith.constant 0 : i32
      %dma_start3A_248 = arith.constant 0 : i32
      %dma_start3A_249 = tpu.memref_slice %arg5[%add3A_242, %dma_start3A_247, %dma_start3A_248] : memref<1024x50x768xf32, #tpu.memory_space<hbm>> -> memref<1x48x768xf32, #tpu.memory_space<hbm>>
      %dma_start3A_250 = tpu.memref_squeeze %dma_start3A_249 : memref<1x48x768xf32, #tpu.memory_space<hbm>> -> memref<48x768xf32, #tpu.memory_space<hbm>>
      tpu.enqueue_dma source(%arg8 : memref<48x768xf32, #tpu.memory_space<vmem>>) target(%dma_start3A_250 : memref<48x768xf32, #tpu.memory_space<hbm>>) target_semaphore(%arg17 : memref<!tpu.dma_semaphore, #tpu.memory_space<semaphore_mem>>)
      %dma_start3A_251 = arith.constant 48 : i32
      %dma_start3A_252 = arith.constant 0 : i32
      %dma_start3A_253 = tpu.memref_slice %arg5[%add3A_242, %dma_start3A_251, %dma_start3A_252] : memref<1024x50x768xf32, #tpu.memory_space<hbm>> -> memref<1x2x768xf32, #tpu.memory_space<hbm>>
      %dma_start3A_254 = tpu.memref_squeeze %dma_start3A_253 : memref<1x2x768xf32, #tpu.memory_space<hbm>> -> memref<2x768xf32, #tpu.memory_space<hbm>>
      %dma_start3A_255 = arith.constant 48 : i32
      %dma_start3A_256 = arith.constant 0 : i32
      %dma_start3A_257 = tpu.memref_slice %arg5[%add3A_242, %dma_start3A_255, %dma_start3A_256] : memref<1024x50x768xf32, #tpu.memory_space<hbm>> -> memref<1x2x768xf32, #tpu.memory_space<hbm>>
      %dma_start3A_258 = tpu.memref_squeeze %dma_start3A_257 : memref<1x2x768xf32, #tpu.memory_space<hbm>> -> memref<2x768xf32, #tpu.memory_space<hbm>>
      tpu.enqueue_dma source(%arg11 : memref<2x768xf32, #tpu.memory_space<vmem>>) target(%dma_start3A_258 : memref<2x768xf32, #tpu.memory_space<hbm>>) target_semaphore(%arg17 : memref<!tpu.dma_semaphore, #tpu.memory_space<semaphore_mem>>)
      %add3A_259 = arith.constant 1 : i32
      %add3A_260 = arith.addi %mul3A_225, %add3A_259 : i32
      %dma_wait3A_261 = arith.constant 0 : i32
      %dma_wait3A_262 = tpu.memref_slice %arg6[%add3A_260, %dma_wait3A_261] : memref<32x48xi32, #tpu.memory_space<vmem>> -> memref<1x48xi32, #tpu.memory_space<vmem>>
      %dma_wait3A_263 = tpu.memref_squeeze %dma_wait3A_262 : memref<1x48xi32, #tpu.memory_space<vmem>> -> memref<48xi32, #tpu.memory_space<vmem>>
      %dma_wait3A_264 = arith.constant 0 : i32
      %dma_wait3A_265 = arith.constant 0 : i32
      %dma_wait3A_266 = tpu.memref_slice %arg2[%dma_wait3A_264, %dma_wait3A_265] : memref<4097x768xf32, #tpu.memory_space<hbm>> -> memref<4097x768xf32, #tpu.memory_space<hbm>>
      tpu.wait_indirect_dma semaphore(%arg15 : memref<!tpu.dma_semaphore, #tpu.memory_space<semaphore_mem>>) src(%dma_wait3A_266 : memref<4097x768xf32, #tpu.memory_space<hbm>>) dst(%arg9 : memref<48x768xf32, #tpu.memory_space<vmem>>)
      %dma_wait3A_267 = arith.constant 0 : i32
      %dma_wait3A_268 = tpu.memref_slice %arg7[%add3A_260, %dma_wait3A_267] : memref<32x2xi32, #tpu.memory_space<vmem>> -> memref<1x2xi32, #tpu.memory_space<vmem>>
      %dma_wait3A_269 = tpu.memref_squeeze %dma_wait3A_268 : memref<1x2xi32, #tpu.memory_space<vmem>> -> memref<2xi32, #tpu.memory_space<vmem>>
      %dma_wait3A_270 = arith.constant 0 : i32
      %dma_wait3A_271 = arith.constant 0 : i32
      %dma_wait3A_272 = tpu.memref_slice %arg2[%dma_wait3A_270, %dma_wait3A_271] : memref<4097x768xf32, #tpu.memory_space<hbm>> -> memref<4097x768xf32, #tpu.memory_space<hbm>>
      tpu.wait_indirect_dma semaphore(%arg15 : memref<!tpu.dma_semaphore, #tpu.memory_space<semaphore_mem>>) src(%dma_wait3A_272 : memref<4097x768xf32, #tpu.memory_space<hbm>>) dst(%arg12 : memref<2x768xf32, #tpu.memory_space<vmem>>)
      %add3A_273 = arith.addi %mul3A_2, %mul3A_225 : i32
      %add3A_274 = arith.constant 1 : i32
      %add3A_275 = arith.addi %add3A_273, %add3A_274 : i32
      %dma_start3A_276 = arith.constant 0 : i32
      %dma_start3A_277 = arith.constant 0 : i32
      %dma_start3A_278 = tpu.memref_slice %arg5[%add3A_275, %dma_start3A_276, %dma_start3A_277] : memref<1024x50x768xf32, #tpu.memory_space<hbm>> -> memref<1x48x768xf32, #tpu.memory_space<hbm>>
      %dma_start3A_279 = tpu.memref_squeeze %dma_start3A_278 : memref<1x48x768xf32, #tpu.memory_space<hbm>> -> memref<48x768xf32, #tpu.memory_space<hbm>>
      %dma_start3A_280 = arith.constant 0 : i32
      %dma_start3A_281 = arith.constant 0 : i32
      %dma_start3A_282 = tpu.memref_slice %arg5[%add3A_275, %dma_start3A_280, %dma_start3A_281] : memref<1024x50x768xf32, #tpu.memory_space<hbm>> -> memref<1x48x768xf32, #tpu.memory_space<hbm>>
      %dma_start3A_283 = tpu.memref_squeeze %dma_start3A_282 : memref<1x48x768xf32, #tpu.memory_space<hbm>> -> memref<48x768xf32, #tpu.memory_space<hbm>>
      tpu.enqueue_dma source(%arg9 : memref<48x768xf32, #tpu.memory_space<vmem>>) target(%dma_start3A_283 : memref<48x768xf32, #tpu.memory_space<hbm>>) target_semaphore(%arg18 : memref<!tpu.dma_semaphore, #tpu.memory_space<semaphore_mem>>)
      %dma_start3A_284 = arith.constant 48 : i32
      %dma_start3A_285 = arith.constant 0 : i32
      %dma_start3A_286 = tpu.memref_slice %arg5[%add3A_275, %dma_start3A_284, %dma_start3A_285] : memref<1024x50x768xf32, #tpu.memory_space<hbm>> -> memref<1x2x768xf32, #tpu.memory_space<hbm>>
      %dma_start3A_287 = tpu.memref_squeeze %dma_start3A_286 : memref<1x2x768xf32, #tpu.memory_space<hbm>> -> memref<2x768xf32, #tpu.memory_space<hbm>>
      %dma_start3A_288 = arith.constant 48 : i32
      %dma_start3A_289 = arith.constant 0 : i32
      %dma_start3A_290 = tpu.memref_slice %arg5[%add3A_275, %dma_start3A_288, %dma_start3A_289] : memref<1024x50x768xf32, #tpu.memory_space<hbm>> -> memref<1x2x768xf32, #tpu.memory_space<hbm>>
      %dma_start3A_291 = tpu.memref_squeeze %dma_start3A_290 : memref<1x2x768xf32, #tpu.memory_space<hbm>> -> memref<2x768xf32, #tpu.memory_space<hbm>>
      tpu.enqueue_dma source(%arg12 : memref<2x768xf32, #tpu.memory_space<vmem>>) target(%dma_start3A_291 : memref<2x768xf32, #tpu.memory_space<hbm>>) target_semaphore(%arg18 : memref<!tpu.dma_semaphore, #tpu.memory_space<semaphore_mem>>)
      %add3A_292 = arith.constant 2 : i32
      %add3A_293 = arith.addi %mul3A_225, %add3A_292 : i32
      %dma_wait3A_294 = arith.constant 0 : i32
      %dma_wait3A_295 = tpu.memref_slice %arg6[%add3A_293, %dma_wait3A_294] : memref<32x48xi32, #tpu.memory_space<vmem>> -> memref<1x48xi32, #tpu.memory_space<vmem>>
      %dma_wait3A_296 = tpu.memref_squeeze %dma_wait3A_295 : memref<1x48xi32, #tpu.memory_space<vmem>> -> memref<48xi32, #tpu.memory_space<vmem>>
      %dma_wait3A_297 = arith.constant 0 : i32
      %dma_wait3A_298 = arith.constant 0 : i32
      %dma_wait3A_299 = tpu.memref_slice %arg2[%dma_wait3A_297, %dma_wait3A_298] : memref<4097x768xf32, #tpu.memory_space<hbm>> -> memref<4097x768xf32, #tpu.memory_space<hbm>>
      tpu.wait_indirect_dma semaphore(%arg16 : memref<!tpu.dma_semaphore, #tpu.memory_space<semaphore_mem>>) src(%dma_wait3A_299 : memref<4097x768xf32, #tpu.memory_space<hbm>>) dst(%arg10 : memref<48x768xf32, #tpu.memory_space<vmem>>)
      %dma_wait3A_300 = arith.constant 0 : i32
      %dma_wait3A_301 = tpu.memref_slice %arg7[%add3A_293, %dma_wait3A_300] : memref<32x2xi32, #tpu.memory_space<vmem>> -> memref<1x2xi32, #tpu.memory_space<vmem>>
      %dma_wait3A_302 = tpu.memref_squeeze %dma_wait3A_301 : memref<1x2xi32, #tpu.memory_space<vmem>> -> memref<2xi32, #tpu.memory_space<vmem>>
      %dma_wait3A_303 = arith.constant 0 : i32
      %dma_wait3A_304 = arith.constant 0 : i32
      %dma_wait3A_305 = tpu.memref_slice %arg2[%dma_wait3A_303, %dma_wait3A_304] : memref<4097x768xf32, #tpu.memory_space<hbm>> -> memref<4097x768xf32, #tpu.memory_space<hbm>>
      tpu.wait_indirect_dma semaphore(%arg16 : memref<!tpu.dma_semaphore, #tpu.memory_space<semaphore_mem>>) src(%dma_wait3A_305 : memref<4097x768xf32, #tpu.memory_space<hbm>>) dst(%arg13 : memref<2x768xf32, #tpu.memory_space<vmem>>)
      %add3A_306 = arith.addi %mul3A_2, %mul3A_225 : i32
      %add3A_307 = arith.constant 2 : i32
      %add3A_308 = arith.addi %add3A_306, %add3A_307 : i32
      %dma_start3A_309 = arith.constant 0 : i32
      %dma_start3A_310 = arith.constant 0 : i32
      %dma_start3A_311 = tpu.memref_slice %arg5[%add3A_308, %dma_start3A_309, %dma_start3A_310] : memref<1024x50x768xf32, #tpu.memory_space<hbm>> -> memref<1x48x768xf32, #tpu.memory_space<hbm>>
      %dma_start3A_312 = tpu.memref_squeeze %dma_start3A_311 : memref<1x48x768xf32, #tpu.memory_space<hbm>> -> memref<48x768xf32, #tpu.memory_space<hbm>>
      %dma_start3A_313 = arith.constant 0 : i32
      %dma_start3A_314 = arith.constant 0 : i32
      %dma_start3A_315 = tpu.memref_slice %arg5[%add3A_308, %dma_start3A_313, %dma_start3A_314] : memref<1024x50x768xf32, #tpu.memory_space<hbm>> -> memref<1x48x768xf32, #tpu.memory_space<hbm>>
      %dma_start3A_316 = tpu.memref_squeeze %dma_start3A_315 : memref<1x48x768xf32, #tpu.memory_space<hbm>> -> memref<48x768xf32, #tpu.memory_space<hbm>>
      tpu.enqueue_dma source(%arg10 : memref<48x768xf32, #tpu.memory_space<vmem>>) target(%dma_start3A_316 : memref<48x768xf32, #tpu.memory_space<hbm>>) target_semaphore(%arg19 : memref<!tpu.dma_semaphore, #tpu.memory_space<semaphore_mem>>)
      %dma_start3A_317 = arith.constant 48 : i32
      %dma_start3A_318 = arith.constant 0 : i32
      %dma_start3A_319 = tpu.memref_slice %arg5[%add3A_308, %dma_start3A_317, %dma_start3A_318] : memref<1024x50x768xf32, #tpu.memory_space<hbm>> -> memref<1x2x768xf32, #tpu.memory_space<hbm>>
      %dma_start3A_320 = tpu.memref_squeeze %dma_start3A_319 : memref<1x2x768xf32, #tpu.memory_space<hbm>> -> memref<2x768xf32, #tpu.memory_space<hbm>>
      %dma_start3A_321 = arith.constant 48 : i32
      %dma_start3A_322 = arith.constant 0 : i32
      %dma_start3A_323 = tpu.memref_slice %arg5[%add3A_308, %dma_start3A_321, %dma_start3A_322] : memref<1024x50x768xf32, #tpu.memory_space<hbm>> -> memref<1x2x768xf32, #tpu.memory_space<hbm>>
      %dma_start3A_324 = tpu.memref_squeeze %dma_start3A_323 : memref<1x2x768xf32, #tpu.memory_space<hbm>> -> memref<2x768xf32, #tpu.memory_space<hbm>>
      tpu.enqueue_dma source(%arg13 : memref<2x768xf32, #tpu.memory_space<vmem>>) target(%dma_start3A_324 : memref<2x768xf32, #tpu.memory_space<hbm>>) target_semaphore(%arg19 : memref<!tpu.dma_semaphore, #tpu.memory_space<semaphore_mem>>)
      %add3A_325 = arith.constant 1 : i32
      %add3A_326 = arith.addi %add3A_223, %add3A_325 : i32
      %lt3A = arith.constant 10 : i32
      %lt3A_327 = arith.cmpi slt, %add3A_326, %lt3A : i32
      %convert_element_type3A = arith.extui %lt3A_327 : i1 to i32
      %cond3A = arith.constant 0 : i32
      %cond3A_328 = arith.cmpi ne, %convert_element_type3A, %cond3A : i32
      scf.if %cond3A_328 {
        %dma_wait3A_329 = arith.constant 0 : i32
        %dma_wait3A_330 = arith.constant 0 : i32
        %dma_wait3A_331 = tpu.memref_slice %arg5[%mul3A_2, %dma_wait3A_329, %dma_wait3A_330] : memref<1024x50x768xf32, #tpu.memory_space<hbm>> -> memref<1x48x768xf32, #tpu.memory_space<hbm>>
        %dma_wait3A_332 = tpu.memref_squeeze %dma_wait3A_331 : memref<1x48x768xf32, #tpu.memory_space<hbm>> -> memref<48x768xf32, #tpu.memory_space<hbm>>
        %dma_wait3A_333 = arith.constant 0 : i32
        %dma_wait3A_334 = arith.constant 0 : i32
        %dma_wait3A_335 = tpu.memref_slice %arg5[%mul3A_2, %dma_wait3A_333, %dma_wait3A_334] : memref<1024x50x768xf32, #tpu.memory_space<hbm>> -> memref<1x48x768xf32, #tpu.memory_space<hbm>>
        %dma_wait3A_336 = tpu.memref_squeeze %dma_wait3A_335 : memref<1x48x768xf32, #tpu.memory_space<hbm>> -> memref<48x768xf32, #tpu.memory_space<hbm>>
        tpu.wait_dma2 semaphore(%arg17 : memref<!tpu.dma_semaphore, #tpu.memory_space<semaphore_mem>>) src(%arg8 : memref<48x768xf32, #tpu.memory_space<vmem>>) dst(%dma_wait3A_336 : memref<48x768xf32, #tpu.memory_space<hbm>>)
        %dma_wait3A_337 = arith.constant 48 : i32
        %dma_wait3A_338 = arith.constant 0 : i32
        %dma_wait3A_339 = tpu.memref_slice %arg5[%mul3A_2, %dma_wait3A_337, %dma_wait3A_338] : memref<1024x50x768xf32, #tpu.memory_space<hbm>> -> memref<1x2x768xf32, #tpu.memory_space<hbm>>
        %dma_wait3A_340 = tpu.memref_squeeze %dma_wait3A_339 : memref<1x2x768xf32, #tpu.memory_space<hbm>> -> memref<2x768xf32, #tpu.memory_space<hbm>>
        %dma_wait3A_341 = arith.constant 48 : i32
        %dma_wait3A_342 = arith.constant 0 : i32
        %dma_wait3A_343 = tpu.memref_slice %arg5[%mul3A_2, %dma_wait3A_341, %dma_wait3A_342] : memref<1024x50x768xf32, #tpu.memory_space<hbm>> -> memref<1x2x768xf32, #tpu.memory_space<hbm>>
        %dma_wait3A_344 = tpu.memref_squeeze %dma_wait3A_343 : memref<1x2x768xf32, #tpu.memory_space<hbm>> -> memref<2x768xf32, #tpu.memory_space<hbm>>
        tpu.wait_dma2 semaphore(%arg17 : memref<!tpu.dma_semaphore, #tpu.memory_space<semaphore_mem>>) src(%arg11 : memref<2x768xf32, #tpu.memory_space<vmem>>) dst(%dma_wait3A_344 : memref<2x768xf32, #tpu.memory_space<hbm>>)
        %add3A_345 = arith.constant 3 : i32
        %add3A_346 = arith.addi %mul3A_225, %add3A_345 : i32
        %add3A_347 = arith.constant 0 : i32
        %add3A_348 = arith.addi %add3A_346, %add3A_347 : i32
        %dma_start3A_349 = arith.constant 0 : i32
        %dma_start3A_350 = tpu.memref_slice %arg6[%add3A_348, %dma_start3A_349] : memref<32x48xi32, #tpu.memory_space<vmem>> -> memref<1x48xi32, #tpu.memory_space<vmem>>
        %dma_start3A_351 = tpu.memref_squeeze %dma_start3A_350 : memref<1x48xi32, #tpu.memory_space<vmem>> -> memref<48xi32, #tpu.memory_space<vmem>>
        %dma_start3A_352 = arith.constant 0 : i32
        %dma_start3A_353 = arith.constant 0 : i32
        %dma_start3A_354 = tpu.memref_slice %arg2[%dma_start3A_352, %dma_start3A_353] : memref<4097x768xf32, #tpu.memory_space<hbm>> -> memref<4097x768xf32, #tpu.memory_space<hbm>>
        tpu.enqueue_indirect_dma source(%dma_start3A_354 : memref<4097x768xf32, #tpu.memory_space<hbm>>) target(%arg8 : memref<48x768xf32, #tpu.memory_space<vmem>>) offsets(%dma_start3A_351 : memref<48xi32, #tpu.memory_space<vmem>>) semaphore(%arg14 : memref<!tpu.dma_semaphore, #tpu.memory_space<semaphore_mem>>)
        %dma_start3A_355 = arith.constant 0 : i32
        %dma_start3A_356 = tpu.memref_slice %arg7[%add3A_348, %dma_start3A_355] : memref<32x2xi32, #tpu.memory_space<vmem>> -> memref<1x2xi32, #tpu.memory_space<vmem>>
        %dma_start3A_357 = tpu.memref_squeeze %dma_start3A_356 : memref<1x2xi32, #tpu.memory_space<vmem>> -> memref<2xi32, #tpu.memory_space<vmem>>
        %dma_start3A_358 = arith.constant 0 : i32
        %dma_start3A_359 = arith.constant 0 : i32
        %dma_start3A_360 = tpu.memref_slice %arg2[%dma_start3A_358, %dma_start3A_359] : memref<4097x768xf32, #tpu.memory_space<hbm>> -> memref<4097x768xf32, #tpu.memory_space<hbm>>
        tpu.enqueue_indirect_dma source(%dma_start3A_360 : memref<4097x768xf32, #tpu.memory_space<hbm>>) target(%arg11 : memref<2x768xf32, #tpu.memory_space<vmem>>) offsets(%dma_start3A_357 : memref<2xi32, #tpu.memory_space<vmem>>) semaphore(%arg14 : memref<!tpu.dma_semaphore, #tpu.memory_space<semaphore_mem>>)
        %dma_wait3A_361 = arith.constant 0 : i32
        %dma_wait3A_362 = arith.constant 0 : i32
        %dma_wait3A_363 = tpu.memref_slice %arg5[%mul3A_2, %dma_wait3A_361, %dma_wait3A_362] : memref<1024x50x768xf32, #tpu.memory_space<hbm>> -> memref<1x48x768xf32, #tpu.memory_space<hbm>>
        %dma_wait3A_364 = tpu.memref_squeeze %dma_wait3A_363 : memref<1x48x768xf32, #tpu.memory_space<hbm>> -> memref<48x768xf32, #tpu.memory_space<hbm>>
        %dma_wait3A_365 = arith.constant 0 : i32
        %dma_wait3A_366 = arith.constant 0 : i32
        %dma_wait3A_367 = tpu.memref_slice %arg5[%mul3A_2, %dma_wait3A_365, %dma_wait3A_366] : memref<1024x50x768xf32, #tpu.memory_space<hbm>> -> memref<1x48x768xf32, #tpu.memory_space<hbm>>
        %dma_wait3A_368 = tpu.memref_squeeze %dma_wait3A_367 : memref<1x48x768xf32, #tpu.memory_space<hbm>> -> memref<48x768xf32, #tpu.memory_space<hbm>>
        tpu.wait_dma2 semaphore(%arg18 : memref<!tpu.dma_semaphore, #tpu.memory_space<semaphore_mem>>) src(%arg9 : memref<48x768xf32, #tpu.memory_space<vmem>>) dst(%dma_wait3A_368 : memref<48x768xf32, #tpu.memory_space<hbm>>)
        %dma_wait3A_369 = arith.constant 48 : i32
        %dma_wait3A_370 = arith.constant 0 : i32
        %dma_wait3A_371 = tpu.memref_slice %arg5[%mul3A_2, %dma_wait3A_369, %dma_wait3A_370] : memref<1024x50x768xf32, #tpu.memory_space<hbm>> -> memref<1x2x768xf32, #tpu.memory_space<hbm>>
        %dma_wait3A_372 = tpu.memref_squeeze %dma_wait3A_371 : memref<1x2x768xf32, #tpu.memory_space<hbm>> -> memref<2x768xf32, #tpu.memory_space<hbm>>
        %dma_wait3A_373 = arith.constant 48 : i32
        %dma_wait3A_374 = arith.constant 0 : i32
        %dma_wait3A_375 = tpu.memref_slice %arg5[%mul3A_2, %dma_wait3A_373, %dma_wait3A_374] : memref<1024x50x768xf32, #tpu.memory_space<hbm>> -> memref<1x2x768xf32, #tpu.memory_space<hbm>>
        %dma_wait3A_376 = tpu.memref_squeeze %dma_wait3A_375 : memref<1x2x768xf32, #tpu.memory_space<hbm>> -> memref<2x768xf32, #tpu.memory_space<hbm>>
        tpu.wait_dma2 semaphore(%arg18 : memref<!tpu.dma_semaphore, #tpu.memory_space<semaphore_mem>>) src(%arg12 : memref<2x768xf32, #tpu.memory_space<vmem>>) dst(%dma_wait3A_376 : memref<2x768xf32, #tpu.memory_space<hbm>>)
        %add3A_377 = arith.constant 3 : i32
        %add3A_378 = arith.addi %mul3A_225, %add3A_377 : i32
        %add3A_379 = arith.constant 1 : i32
        %add3A_380 = arith.addi %add3A_378, %add3A_379 : i32
        %dma_start3A_381 = arith.constant 0 : i32
        %dma_start3A_382 = tpu.memref_slice %arg6[%add3A_380, %dma_start3A_381] : memref<32x48xi32, #tpu.memory_space<vmem>> -> memref<1x48xi32, #tpu.memory_space<vmem>>
        %dma_start3A_383 = tpu.memref_squeeze %dma_start3A_382 : memref<1x48xi32, #tpu.memory_space<vmem>> -> memref<48xi32, #tpu.memory_space<vmem>>
        %dma_start3A_384 = arith.constant 0 : i32
        %dma_start3A_385 = arith.constant 0 : i32
        %dma_start3A_386 = tpu.memref_slice %arg2[%dma_start3A_384, %dma_start3A_385] : memref<4097x768xf32, #tpu.memory_space<hbm>> -> memref<4097x768xf32, #tpu.memory_space<hbm>>
        tpu.enqueue_indirect_dma source(%dma_start3A_386 : memref<4097x768xf32, #tpu.memory_space<hbm>>) target(%arg9 : memref<48x768xf32, #tpu.memory_space<vmem>>) offsets(%dma_start3A_383 : memref<48xi32, #tpu.memory_space<vmem>>) semaphore(%arg15 : memref<!tpu.dma_semaphore, #tpu.memory_space<semaphore_mem>>)
        %dma_start3A_387 = arith.constant 0 : i32
        %dma_start3A_388 = tpu.memref_slice %arg7[%add3A_380, %dma_start3A_387] : memref<32x2xi32, #tpu.memory_space<vmem>> -> memref<1x2xi32, #tpu.memory_space<vmem>>
        %dma_start3A_389 = tpu.memref_squeeze %dma_start3A_388 : memref<1x2xi32, #tpu.memory_space<vmem>> -> memref<2xi32, #tpu.memory_space<vmem>>
        %dma_start3A_390 = arith.constant 0 : i32
        %dma_start3A_391 = arith.constant 0 : i32
        %dma_start3A_392 = tpu.memref_slice %arg2[%dma_start3A_390, %dma_start3A_391] : memref<4097x768xf32, #tpu.memory_space<hbm>> -> memref<4097x768xf32, #tpu.memory_space<hbm>>
        tpu.enqueue_indirect_dma source(%dma_start3A_392 : memref<4097x768xf32, #tpu.memory_space<hbm>>) target(%arg12 : memref<2x768xf32, #tpu.memory_space<vmem>>) offsets(%dma_start3A_389 : memref<2xi32, #tpu.memory_space<vmem>>) semaphore(%arg15 : memref<!tpu.dma_semaphore, #tpu.memory_space<semaphore_mem>>)
        %dma_wait3A_393 = arith.constant 0 : i32
        %dma_wait3A_394 = arith.constant 0 : i32
        %dma_wait3A_395 = tpu.memref_slice %arg5[%mul3A_2, %dma_wait3A_393, %dma_wait3A_394] : memref<1024x50x768xf32, #tpu.memory_space<hbm>> -> memref<1x48x768xf32, #tpu.memory_space<hbm>>
        %dma_wait3A_396 = tpu.memref_squeeze %dma_wait3A_395 : memref<1x48x768xf32, #tpu.memory_space<hbm>> -> memref<48x768xf32, #tpu.memory_space<hbm>>
        %dma_wait3A_397 = arith.constant 0 : i32
        %dma_wait3A_398 = arith.constant 0 : i32
        %dma_wait3A_399 = tpu.memref_slice %arg5[%mul3A_2, %dma_wait3A_397, %dma_wait3A_398] : memref<1024x50x768xf32, #tpu.memory_space<hbm>> -> memref<1x48x768xf32, #tpu.memory_space<hbm>>
        %dma_wait3A_400 = tpu.memref_squeeze %dma_wait3A_399 : memref<1x48x768xf32, #tpu.memory_space<hbm>> -> memref<48x768xf32, #tpu.memory_space<hbm>>
        tpu.wait_dma2 semaphore(%arg19 : memref<!tpu.dma_semaphore, #tpu.memory_space<semaphore_mem>>) src(%arg10 : memref<48x768xf32, #tpu.memory_space<vmem>>) dst(%dma_wait3A_400 : memref<48x768xf32, #tpu.memory_space<hbm>>)
        %dma_wait3A_401 = arith.constant 48 : i32
        %dma_wait3A_402 = arith.constant 0 : i32
        %dma_wait3A_403 = tpu.memref_slice %arg5[%mul3A_2, %dma_wait3A_401, %dma_wait3A_402] : memref<1024x50x768xf32, #tpu.memory_space<hbm>> -> memref<1x2x768xf32, #tpu.memory_space<hbm>>
        %dma_wait3A_404 = tpu.memref_squeeze %dma_wait3A_403 : memref<1x2x768xf32, #tpu.memory_space<hbm>> -> memref<2x768xf32, #tpu.memory_space<hbm>>
        %dma_wait3A_405 = arith.constant 48 : i32
        %dma_wait3A_406 = arith.constant 0 : i32
        %dma_wait3A_407 = tpu.memref_slice %arg5[%mul3A_2, %dma_wait3A_405, %dma_wait3A_406] : memref<1024x50x768xf32, #tpu.memory_space<hbm>> -> memref<1x2x768xf32, #tpu.memory_space<hbm>>
        %dma_wait3A_408 = tpu.memref_squeeze %dma_wait3A_407 : memref<1x2x768xf32, #tpu.memory_space<hbm>> -> memref<2x768xf32, #tpu.memory_space<hbm>>
        tpu.wait_dma2 semaphore(%arg19 : memref<!tpu.dma_semaphore, #tpu.memory_space<semaphore_mem>>) src(%arg13 : memref<2x768xf32, #tpu.memory_space<vmem>>) dst(%dma_wait3A_408 : memref<2x768xf32, #tpu.memory_space<hbm>>)
        %add3A_409 = arith.constant 3 : i32
        %add3A_410 = arith.addi %mul3A_225, %add3A_409 : i32
        %add3A_411 = arith.constant 2 : i32
        %add3A_412 = arith.addi %add3A_410, %add3A_411 : i32
        %dma_start3A_413 = arith.constant 0 : i32
        %dma_start3A_414 = tpu.memref_slice %arg6[%add3A_412, %dma_start3A_413] : memref<32x48xi32, #tpu.memory_space<vmem>> -> memref<1x48xi32, #tpu.memory_space<vmem>>
        %dma_start3A_415 = tpu.memref_squeeze %dma_start3A_414 : memref<1x48xi32, #tpu.memory_space<vmem>> -> memref<48xi32, #tpu.memory_space<vmem>>
        %dma_start3A_416 = arith.constant 0 : i32
        %dma_start3A_417 = arith.constant 0 : i32
        %dma_start3A_418 = tpu.memref_slice %arg2[%dma_start3A_416, %dma_start3A_417] : memref<4097x768xf32, #tpu.memory_space<hbm>> -> memref<4097x768xf32, #tpu.memory_space<hbm>>
        tpu.enqueue_indirect_dma source(%dma_start3A_418 : memref<4097x768xf32, #tpu.memory_space<hbm>>) target(%arg10 : memref<48x768xf32, #tpu.memory_space<vmem>>) offsets(%dma_start3A_415 : memref<48xi32, #tpu.memory_space<vmem>>) semaphore(%arg16 : memref<!tpu.dma_semaphore, #tpu.memory_space<semaphore_mem>>)
        %dma_start3A_419 = arith.constant 0 : i32
        %dma_start3A_420 = tpu.memref_slice %arg7[%add3A_412, %dma_start3A_419] : memref<32x2xi32, #tpu.memory_space<vmem>> -> memref<1x2xi32, #tpu.memory_space<vmem>>
        %dma_start3A_421 = tpu.memref_squeeze %dma_start3A_420 : memref<1x2xi32, #tpu.memory_space<vmem>> -> memref<2xi32, #tpu.memory_space<vmem>>
        %dma_start3A_422 = arith.constant 0 : i32
        %dma_start3A_423 = arith.constant 0 : i32
        %dma_start3A_424 = tpu.memref_slice %arg2[%dma_start3A_422, %dma_start3A_423] : memref<4097x768xf32, #tpu.memory_space<hbm>> -> memref<4097x768xf32, #tpu.memory_space<hbm>>
        tpu.enqueue_indirect_dma source(%dma_start3A_424 : memref<4097x768xf32, #tpu.memory_space<hbm>>) target(%arg13 : memref<2x768xf32, #tpu.memory_space<vmem>>) offsets(%dma_start3A_421 : memref<2xi32, #tpu.memory_space<vmem>>) semaphore(%arg16 : memref<!tpu.dma_semaphore, #tpu.memory_space<semaphore_mem>>)
      } else {
      }
    }
    %scan3A_47 = arith.constant 10 : i32
    %dma_wait3A = arith.constant 0 : i32
    %dma_wait3A_48 = arith.constant 0 : i32
    %dma_wait3A_49 = tpu.memref_slice %arg5[%mul3A_2, %dma_wait3A, %dma_wait3A_48] : memref<1024x50x768xf32, #tpu.memory_space<hbm>> -> memref<1x48x768xf32, #tpu.memory_space<hbm>>
    %dma_wait3A_50 = tpu.memref_squeeze %dma_wait3A_49 : memref<1x48x768xf32, #tpu.memory_space<hbm>> -> memref<48x768xf32, #tpu.memory_space<hbm>>
    %dma_wait3A_51 = arith.constant 0 : i32
    %dma_wait3A_52 = arith.constant 0 : i32
    %dma_wait3A_53 = tpu.memref_slice %arg5[%mul3A_2, %dma_wait3A_51, %dma_wait3A_52] : memref<1024x50x768xf32, #tpu.memory_space<hbm>> -> memref<1x48x768xf32, #tpu.memory_space<hbm>>
    %dma_wait3A_54 = tpu.memref_squeeze %dma_wait3A_53 : memref<1x48x768xf32, #tpu.memory_space<hbm>> -> memref<48x768xf32, #tpu.memory_space<hbm>>
    tpu.wait_dma2 semaphore(%arg17 : memref<!tpu.dma_semaphore, #tpu.memory_space<semaphore_mem>>) src(%arg8 : memref<48x768xf32, #tpu.memory_space<vmem>>) dst(%dma_wait3A_54 : memref<48x768xf32, #tpu.memory_space<hbm>>)
    %dma_wait3A_55 = arith.constant 48 : i32
    %dma_wait3A_56 = arith.constant 0 : i32
    %dma_wait3A_57 = tpu.memref_slice %arg5[%mul3A_2, %dma_wait3A_55, %dma_wait3A_56] : memref<1024x50x768xf32, #tpu.memory_space<hbm>> -> memref<1x2x768xf32, #tpu.memory_space<hbm>>
    %dma_wait3A_58 = tpu.memref_squeeze %dma_wait3A_57 : memref<1x2x768xf32, #tpu.memory_space<hbm>> -> memref<2x768xf32, #tpu.memory_space<hbm>>
    %dma_wait3A_59 = arith.constant 48 : i32
    %dma_wait3A_60 = arith.constant 0 : i32
    %dma_wait3A_61 = tpu.memref_slice %arg5[%mul3A_2, %dma_wait3A_59, %dma_wait3A_60] : memref<1024x50x768xf32, #tpu.memory_space<hbm>> -> memref<1x2x768xf32, #tpu.memory_space<hbm>>
    %dma_wait3A_62 = tpu.memref_squeeze %dma_wait3A_61 : memref<1x2x768xf32, #tpu.memory_space<hbm>> -> memref<2x768xf32, #tpu.memory_space<hbm>>
    tpu.wait_dma2 semaphore(%arg17 : memref<!tpu.dma_semaphore, #tpu.memory_space<semaphore_mem>>) src(%arg11 : memref<2x768xf32, #tpu.memory_space<vmem>>) dst(%dma_wait3A_62 : memref<2x768xf32, #tpu.memory_space<hbm>>)
    %dma_start3A_63 = arith.constant 30 : i32
    %dma_start3A_64 = arith.constant 0 : i32
    %dma_start3A_65 = tpu.memref_slice %arg6[%dma_start3A_63, %dma_start3A_64] : memref<32x48xi32, #tpu.memory_space<vmem>> -> memref<1x48xi32, #tpu.memory_space<vmem>>
    %dma_start3A_66 = tpu.memref_squeeze %dma_start3A_65 : memref<1x48xi32, #tpu.memory_space<vmem>> -> memref<48xi32, #tpu.memory_space<vmem>>
    %dma_start3A_67 = arith.constant 0 : i32
    %dma_start3A_68 = arith.constant 0 : i32
    %dma_start3A_69 = tpu.memref_slice %arg2[%dma_start3A_67, %dma_start3A_68] : memref<4097x768xf32, #tpu.memory_space<hbm>> -> memref<4097x768xf32, #tpu.memory_space<hbm>>
    tpu.enqueue_indirect_dma source(%dma_start3A_69 : memref<4097x768xf32, #tpu.memory_space<hbm>>) target(%arg8 : memref<48x768xf32, #tpu.memory_space<vmem>>) offsets(%dma_start3A_66 : memref<48xi32, #tpu.memory_space<vmem>>) semaphore(%arg14 : memref<!tpu.dma_semaphore, #tpu.memory_space<semaphore_mem>>)
    %dma_start3A_70 = arith.constant 30 : i32
    %dma_start3A_71 = arith.constant 0 : i32
    %dma_start3A_72 = tpu.memref_slice %arg7[%dma_start3A_70, %dma_start3A_71] : memref<32x2xi32, #tpu.memory_space<vmem>> -> memref<1x2xi32, #tpu.memory_space<vmem>>
    %dma_start3A_73 = tpu.memref_squeeze %dma_start3A_72 : memref<1x2xi32, #tpu.memory_space<vmem>> -> memref<2xi32, #tpu.memory_space<vmem>>
    %dma_start3A_74 = arith.constant 0 : i32
    %dma_start3A_75 = arith.constant 0 : i32
    %dma_start3A_76 = tpu.memref_slice %arg2[%dma_start3A_74, %dma_start3A_75] : memref<4097x768xf32, #tpu.memory_space<hbm>> -> memref<4097x768xf32, #tpu.memory_space<hbm>>
    tpu.enqueue_indirect_dma source(%dma_start3A_76 : memref<4097x768xf32, #tpu.memory_space<hbm>>) target(%arg11 : memref<2x768xf32, #tpu.memory_space<vmem>>) offsets(%dma_start3A_73 : memref<2xi32, #tpu.memory_space<vmem>>) semaphore(%arg14 : memref<!tpu.dma_semaphore, #tpu.memory_space<semaphore_mem>>)
    %dma_wait3A_77 = arith.constant 0 : i32
    %dma_wait3A_78 = arith.constant 0 : i32
    %dma_wait3A_79 = tpu.memref_slice %arg5[%mul3A_2, %dma_wait3A_77, %dma_wait3A_78] : memref<1024x50x768xf32, #tpu.memory_space<hbm>> -> memref<1x48x768xf32, #tpu.memory_space<hbm>>
    %dma_wait3A_80 = tpu.memref_squeeze %dma_wait3A_79 : memref<1x48x768xf32, #tpu.memory_space<hbm>> -> memref<48x768xf32, #tpu.memory_space<hbm>>
    %dma_wait3A_81 = arith.constant 0 : i32
    %dma_wait3A_82 = arith.constant 0 : i32
    %dma_wait3A_83 = tpu.memref_slice %arg5[%mul3A_2, %dma_wait3A_81, %dma_wait3A_82] : memref<1024x50x768xf32, #tpu.memory_space<hbm>> -> memref<1x48x768xf32, #tpu.memory_space<hbm>>
    %dma_wait3A_84 = tpu.memref_squeeze %dma_wait3A_83 : memref<1x48x768xf32, #tpu.memory_space<hbm>> -> memref<48x768xf32, #tpu.memory_space<hbm>>
    tpu.wait_dma2 semaphore(%arg18 : memref<!tpu.dma_semaphore, #tpu.memory_space<semaphore_mem>>) src(%arg9 : memref<48x768xf32, #tpu.memory_space<vmem>>) dst(%dma_wait3A_84 : memref<48x768xf32, #tpu.memory_space<hbm>>)
    %dma_wait3A_85 = arith.constant 48 : i32
    %dma_wait3A_86 = arith.constant 0 : i32
    %dma_wait3A_87 = tpu.memref_slice %arg5[%mul3A_2, %dma_wait3A_85, %dma_wait3A_86] : memref<1024x50x768xf32, #tpu.memory_space<hbm>> -> memref<1x2x768xf32, #tpu.memory_space<hbm>>
    %dma_wait3A_88 = tpu.memref_squeeze %dma_wait3A_87 : memref<1x2x768xf32, #tpu.memory_space<hbm>> -> memref<2x768xf32, #tpu.memory_space<hbm>>
    %dma_wait3A_89 = arith.constant 48 : i32
    %dma_wait3A_90 = arith.constant 0 : i32
    %dma_wait3A_91 = tpu.memref_slice %arg5[%mul3A_2, %dma_wait3A_89, %dma_wait3A_90] : memref<1024x50x768xf32, #tpu.memory_space<hbm>> -> memref<1x2x768xf32, #tpu.memory_space<hbm>>
    %dma_wait3A_92 = tpu.memref_squeeze %dma_wait3A_91 : memref<1x2x768xf32, #tpu.memory_space<hbm>> -> memref<2x768xf32, #tpu.memory_space<hbm>>
    tpu.wait_dma2 semaphore(%arg18 : memref<!tpu.dma_semaphore, #tpu.memory_space<semaphore_mem>>) src(%arg12 : memref<2x768xf32, #tpu.memory_space<vmem>>) dst(%dma_wait3A_92 : memref<2x768xf32, #tpu.memory_space<hbm>>)
    %dma_start3A_93 = arith.constant 31 : i32
    %dma_start3A_94 = arith.constant 0 : i32
    %dma_start3A_95 = tpu.memref_slice %arg6[%dma_start3A_93, %dma_start3A_94] : memref<32x48xi32, #tpu.memory_space<vmem>> -> memref<1x48xi32, #tpu.memory_space<vmem>>
    %dma_start3A_96 = tpu.memref_squeeze %dma_start3A_95 : memref<1x48xi32, #tpu.memory_space<vmem>> -> memref<48xi32, #tpu.memory_space<vmem>>
    %dma_start3A_97 = arith.constant 0 : i32
    %dma_start3A_98 = arith.constant 0 : i32
    %dma_start3A_99 = tpu.memref_slice %arg2[%dma_start3A_97, %dma_start3A_98] : memref<4097x768xf32, #tpu.memory_space<hbm>> -> memref<4097x768xf32, #tpu.memory_space<hbm>>
    tpu.enqueue_indirect_dma source(%dma_start3A_99 : memref<4097x768xf32, #tpu.memory_space<hbm>>) target(%arg9 : memref<48x768xf32, #tpu.memory_space<vmem>>) offsets(%dma_start3A_96 : memref<48xi32, #tpu.memory_space<vmem>>) semaphore(%arg15 : memref<!tpu.dma_semaphore, #tpu.memory_space<semaphore_mem>>)
    %dma_start3A_100 = arith.constant 31 : i32
    %dma_start3A_101 = arith.constant 0 : i32
    %dma_start3A_102 = tpu.memref_slice %arg7[%dma_start3A_100, %dma_start3A_101] : memref<32x2xi32, #tpu.memory_space<vmem>> -> memref<1x2xi32, #tpu.memory_space<vmem>>
    %dma_start3A_103 = tpu.memref_squeeze %dma_start3A_102 : memref<1x2xi32, #tpu.memory_space<vmem>> -> memref<2xi32, #tpu.memory_space<vmem>>
    %dma_start3A_104 = arith.constant 0 : i32
    %dma_start3A_105 = arith.constant 0 : i32
    %dma_start3A_106 = tpu.memref_slice %arg2[%dma_start3A_104, %dma_start3A_105] : memref<4097x768xf32, #tpu.memory_space<hbm>> -> memref<4097x768xf32, #tpu.memory_space<hbm>>
    tpu.enqueue_indirect_dma source(%dma_start3A_106 : memref<4097x768xf32, #tpu.memory_space<hbm>>) target(%arg12 : memref<2x768xf32, #tpu.memory_space<vmem>>) offsets(%dma_start3A_103 : memref<2xi32, #tpu.memory_space<vmem>>) semaphore(%arg15 : memref<!tpu.dma_semaphore, #tpu.memory_space<semaphore_mem>>)
    %dma_wait3A_107 = arith.constant 30 : i32
    %dma_wait3A_108 = arith.constant 0 : i32
    %dma_wait3A_109 = tpu.memref_slice %arg6[%dma_wait3A_107, %dma_wait3A_108] : memref<32x48xi32, #tpu.memory_space<vmem>> -> memref<1x48xi32, #tpu.memory_space<vmem>>
    %dma_wait3A_110 = tpu.memref_squeeze %dma_wait3A_109 : memref<1x48xi32, #tpu.memory_space<vmem>> -> memref<48xi32, #tpu.memory_space<vmem>>
    %dma_wait3A_111 = arith.constant 0 : i32
    %dma_wait3A_112 = arith.constant 0 : i32
    %dma_wait3A_113 = tpu.memref_slice %arg2[%dma_wait3A_111, %dma_wait3A_112] : memref<4097x768xf32, #tpu.memory_space<hbm>> -> memref<4097x768xf32, #tpu.memory_space<hbm>>
    tpu.wait_indirect_dma semaphore(%arg14 : memref<!tpu.dma_semaphore, #tpu.memory_space<semaphore_mem>>) src(%dma_wait3A_113 : memref<4097x768xf32, #tpu.memory_space<hbm>>) dst(%arg8 : memref<48x768xf32, #tpu.memory_space<vmem>>)
    %dma_wait3A_114 = arith.constant 30 : i32
    %dma_wait3A_115 = arith.constant 0 : i32
    %dma_wait3A_116 = tpu.memref_slice %arg7[%dma_wait3A_114, %dma_wait3A_115] : memref<32x2xi32, #tpu.memory_space<vmem>> -> memref<1x2xi32, #tpu.memory_space<vmem>>
    %dma_wait3A_117 = tpu.memref_squeeze %dma_wait3A_116 : memref<1x2xi32, #tpu.memory_space<vmem>> -> memref<2xi32, #tpu.memory_space<vmem>>
    %dma_wait3A_118 = arith.constant 0 : i32
    %dma_wait3A_119 = arith.constant 0 : i32
    %dma_wait3A_120 = tpu.memref_slice %arg2[%dma_wait3A_118, %dma_wait3A_119] : memref<4097x768xf32, #tpu.memory_space<hbm>> -> memref<4097x768xf32, #tpu.memory_space<hbm>>
    tpu.wait_indirect_dma semaphore(%arg14 : memref<!tpu.dma_semaphore, #tpu.memory_space<semaphore_mem>>) src(%dma_wait3A_120 : memref<4097x768xf32, #tpu.memory_space<hbm>>) dst(%arg11 : memref<2x768xf32, #tpu.memory_space<vmem>>)
    %add3A_121 = arith.constant 30 : i32
    %add3A_122 = arith.addi %mul3A_2, %add3A_121 : i32
    %dma_start3A_123 = arith.constant 0 : i32
    %dma_start3A_124 = arith.constant 0 : i32
    %dma_start3A_125 = tpu.memref_slice %arg5[%add3A_122, %dma_start3A_123, %dma_start3A_124] : memref<1024x50x768xf32, #tpu.memory_space<hbm>> -> memref<1x48x768xf32, #tpu.memory_space<hbm>>
    %dma_start3A_126 = tpu.memref_squeeze %dma_start3A_125 : memref<1x48x768xf32, #tpu.memory_space<hbm>> -> memref<48x768xf32, #tpu.memory_space<hbm>>
    %dma_start3A_127 = arith.constant 0 : i32
    %dma_start3A_128 = arith.constant 0 : i32
    %dma_start3A_129 = tpu.memref_slice %arg5[%add3A_122, %dma_start3A_127, %dma_start3A_128] : memref<1024x50x768xf32, #tpu.memory_space<hbm>> -> memref<1x48x768xf32, #tpu.memory_space<hbm>>
    %dma_start3A_130 = tpu.memref_squeeze %dma_start3A_129 : memref<1x48x768xf32, #tpu.memory_space<hbm>> -> memref<48x768xf32, #tpu.memory_space<hbm>>
    tpu.enqueue_dma source(%arg8 : memref<48x768xf32, #tpu.memory_space<vmem>>) target(%dma_start3A_130 : memref<48x768xf32, #tpu.memory_space<hbm>>) target_semaphore(%arg17 : memref<!tpu.dma_semaphore, #tpu.memory_space<semaphore_mem>>)
    %dma_start3A_131 = arith.constant 48 : i32
    %dma_start3A_132 = arith.constant 0 : i32
    %dma_start3A_133 = tpu.memref_slice %arg5[%add3A_122, %dma_start3A_131, %dma_start3A_132] : memref<1024x50x768xf32, #tpu.memory_space<hbm>> -> memref<1x2x768xf32, #tpu.memory_space<hbm>>
    %dma_start3A_134 = tpu.memref_squeeze %dma_start3A_133 : memref<1x2x768xf32, #tpu.memory_space<hbm>> -> memref<2x768xf32, #tpu.memory_space<hbm>>
    %dma_start3A_135 = arith.constant 48 : i32
    %dma_start3A_136 = arith.constant 0 : i32
    %dma_start3A_137 = tpu.memref_slice %arg5[%add3A_122, %dma_start3A_135, %dma_start3A_136] : memref<1024x50x768xf32, #tpu.memory_space<hbm>> -> memref<1x2x768xf32, #tpu.memory_space<hbm>>
    %dma_start3A_138 = tpu.memref_squeeze %dma_start3A_137 : memref<1x2x768xf32, #tpu.memory_space<hbm>> -> memref<2x768xf32, #tpu.memory_space<hbm>>
    tpu.enqueue_dma source(%arg11 : memref<2x768xf32, #tpu.memory_space<vmem>>) target(%dma_start3A_138 : memref<2x768xf32, #tpu.memory_space<hbm>>) target_semaphore(%arg17 : memref<!tpu.dma_semaphore, #tpu.memory_space<semaphore_mem>>)
    %dma_wait3A_139 = arith.constant 31 : i32
    %dma_wait3A_140 = arith.constant 0 : i32
    %dma_wait3A_141 = tpu.memref_slice %arg6[%dma_wait3A_139, %dma_wait3A_140] : memref<32x48xi32, #tpu.memory_space<vmem>> -> memref<1x48xi32, #tpu.memory_space<vmem>>
    %dma_wait3A_142 = tpu.memref_squeeze %dma_wait3A_141 : memref<1x48xi32, #tpu.memory_space<vmem>> -> memref<48xi32, #tpu.memory_space<vmem>>
    %dma_wait3A_143 = arith.constant 0 : i32
    %dma_wait3A_144 = arith.constant 0 : i32
    %dma_wait3A_145 = tpu.memref_slice %arg2[%dma_wait3A_143, %dma_wait3A_144] : memref<4097x768xf32, #tpu.memory_space<hbm>> -> memref<4097x768xf32, #tpu.memory_space<hbm>>
    tpu.wait_indirect_dma semaphore(%arg15 : memref<!tpu.dma_semaphore, #tpu.memory_space<semaphore_mem>>) src(%dma_wait3A_145 : memref<4097x768xf32, #tpu.memory_space<hbm>>) dst(%arg9 : memref<48x768xf32, #tpu.memory_space<vmem>>)
    %dma_wait3A_146 = arith.constant 31 : i32
    %dma_wait3A_147 = arith.constant 0 : i32
    %dma_wait3A_148 = tpu.memref_slice %arg7[%dma_wait3A_146, %dma_wait3A_147] : memref<32x2xi32, #tpu.memory_space<vmem>> -> memref<1x2xi32, #tpu.memory_space<vmem>>
    %dma_wait3A_149 = tpu.memref_squeeze %dma_wait3A_148 : memref<1x2xi32, #tpu.memory_space<vmem>> -> memref<2xi32, #tpu.memory_space<vmem>>
    %dma_wait3A_150 = arith.constant 0 : i32
    %dma_wait3A_151 = arith.constant 0 : i32
    %dma_wait3A_152 = tpu.memref_slice %arg2[%dma_wait3A_150, %dma_wait3A_151] : memref<4097x768xf32, #tpu.memory_space<hbm>> -> memref<4097x768xf32, #tpu.memory_space<hbm>>
    tpu.wait_indirect_dma semaphore(%arg15 : memref<!tpu.dma_semaphore, #tpu.memory_space<semaphore_mem>>) src(%dma_wait3A_152 : memref<4097x768xf32, #tpu.memory_space<hbm>>) dst(%arg12 : memref<2x768xf32, #tpu.memory_space<vmem>>)
    %add3A_153 = arith.constant 31 : i32
    %add3A_154 = arith.addi %mul3A_2, %add3A_153 : i32
    %dma_start3A_155 = arith.constant 0 : i32
    %dma_start3A_156 = arith.constant 0 : i32
    %dma_start3A_157 = tpu.memref_slice %arg5[%add3A_154, %dma_start3A_155, %dma_start3A_156] : memref<1024x50x768xf32, #tpu.memory_space<hbm>> -> memref<1x48x768xf32, #tpu.memory_space<hbm>>
    %dma_start3A_158 = tpu.memref_squeeze %dma_start3A_157 : memref<1x48x768xf32, #tpu.memory_space<hbm>> -> memref<48x768xf32, #tpu.memory_space<hbm>>
    %dma_start3A_159 = arith.constant 0 : i32
    %dma_start3A_160 = arith.constant 0 : i32
    %dma_start3A_161 = tpu.memref_slice %arg5[%add3A_154, %dma_start3A_159, %dma_start3A_160] : memref<1024x50x768xf32, #tpu.memory_space<hbm>> -> memref<1x48x768xf32, #tpu.memory_space<hbm>>
    %dma_start3A_162 = tpu.memref_squeeze %dma_start3A_161 : memref<1x48x768xf32, #tpu.memory_space<hbm>> -> memref<48x768xf32, #tpu.memory_space<hbm>>
    tpu.enqueue_dma source(%arg9 : memref<48x768xf32, #tpu.memory_space<vmem>>) target(%dma_start3A_162 : memref<48x768xf32, #tpu.memory_space<hbm>>) target_semaphore(%arg18 : memref<!tpu.dma_semaphore, #tpu.memory_space<semaphore_mem>>)
    %dma_start3A_163 = arith.constant 48 : i32
    %dma_start3A_164 = arith.constant 0 : i32
    %dma_start3A_165 = tpu.memref_slice %arg5[%add3A_154, %dma_start3A_163, %dma_start3A_164] : memref<1024x50x768xf32, #tpu.memory_space<hbm>> -> memref<1x2x768xf32, #tpu.memory_space<hbm>>
    %dma_start3A_166 = tpu.memref_squeeze %dma_start3A_165 : memref<1x2x768xf32, #tpu.memory_space<hbm>> -> memref<2x768xf32, #tpu.memory_space<hbm>>
    %dma_start3A_167 = arith.constant 48 : i32
    %dma_start3A_168 = arith.constant 0 : i32
    %dma_start3A_169 = tpu.memref_slice %arg5[%add3A_154, %dma_start3A_167, %dma_start3A_168] : memref<1024x50x768xf32, #tpu.memory_space<hbm>> -> memref<1x2x768xf32, #tpu.memory_space<hbm>>
    %dma_start3A_170 = tpu.memref_squeeze %dma_start3A_169 : memref<1x2x768xf32, #tpu.memory_space<hbm>> -> memref<2x768xf32, #tpu.memory_space<hbm>>
    tpu.enqueue_dma source(%arg12 : memref<2x768xf32, #tpu.memory_space<vmem>>) target(%dma_start3A_170 : memref<2x768xf32, #tpu.memory_space<hbm>>) target_semaphore(%arg18 : memref<!tpu.dma_semaphore, #tpu.memory_space<semaphore_mem>>)
    %dma_wait3A_171 = arith.constant 0 : i32
    %dma_wait3A_172 = arith.constant 0 : i32
    %dma_wait3A_173 = tpu.memref_slice %arg5[%mul3A_2, %dma_wait3A_171, %dma_wait3A_172] : memref<1024x50x768xf32, #tpu.memory_space<hbm>> -> memref<1x48x768xf32, #tpu.memory_space<hbm>>
    %dma_wait3A_174 = tpu.memref_squeeze %dma_wait3A_173 : memref<1x48x768xf32, #tpu.memory_space<hbm>> -> memref<48x768xf32, #tpu.memory_space<hbm>>
    %dma_wait3A_175 = arith.constant 0 : i32
    %dma_wait3A_176 = arith.constant 0 : i32
    %dma_wait3A_177 = tpu.memref_slice %arg5[%mul3A_2, %dma_wait3A_175, %dma_wait3A_176] : memref<1024x50x768xf32, #tpu.memory_space<hbm>> -> memref<1x48x768xf32, #tpu.memory_space<hbm>>
    %dma_wait3A_178 = tpu.memref_squeeze %dma_wait3A_177 : memref<1x48x768xf32, #tpu.memory_space<hbm>> -> memref<48x768xf32, #tpu.memory_space<hbm>>
    tpu.wait_dma2 semaphore(%arg17 : memref<!tpu.dma_semaphore, #tpu.memory_space<semaphore_mem>>) src(%arg8 : memref<48x768xf32, #tpu.memory_space<vmem>>) dst(%dma_wait3A_178 : memref<48x768xf32, #tpu.memory_space<hbm>>)
    %dma_wait3A_179 = arith.constant 48 : i32
    %dma_wait3A_180 = arith.constant 0 : i32
    %dma_wait3A_181 = tpu.memref_slice %arg5[%mul3A_2, %dma_wait3A_179, %dma_wait3A_180] : memref<1024x50x768xf32, #tpu.memory_space<hbm>> -> memref<1x2x768xf32, #tpu.memory_space<hbm>>
    %dma_wait3A_182 = tpu.memref_squeeze %dma_wait3A_181 : memref<1x2x768xf32, #tpu.memory_space<hbm>> -> memref<2x768xf32, #tpu.memory_space<hbm>>
    %dma_wait3A_183 = arith.constant 48 : i32
    %dma_wait3A_184 = arith.constant 0 : i32
    %dma_wait3A_185 = tpu.memref_slice %arg5[%mul3A_2, %dma_wait3A_183, %dma_wait3A_184] : memref<1024x50x768xf32, #tpu.memory_space<hbm>> -> memref<1x2x768xf32, #tpu.memory_space<hbm>>
    %dma_wait3A_186 = tpu.memref_squeeze %dma_wait3A_185 : memref<1x2x768xf32, #tpu.memory_space<hbm>> -> memref<2x768xf32, #tpu.memory_space<hbm>>
    tpu.wait_dma2 semaphore(%arg17 : memref<!tpu.dma_semaphore, #tpu.memory_space<semaphore_mem>>) src(%arg11 : memref<2x768xf32, #tpu.memory_space<vmem>>) dst(%dma_wait3A_186 : memref<2x768xf32, #tpu.memory_space<hbm>>)
    %dma_wait3A_187 = arith.constant 0 : i32
    %dma_wait3A_188 = arith.constant 0 : i32
    %dma_wait3A_189 = tpu.memref_slice %arg5[%mul3A_2, %dma_wait3A_187, %dma_wait3A_188] : memref<1024x50x768xf32, #tpu.memory_space<hbm>> -> memref<1x48x768xf32, #tpu.memory_space<hbm>>
    %dma_wait3A_190 = tpu.memref_squeeze %dma_wait3A_189 : memref<1x48x768xf32, #tpu.memory_space<hbm>> -> memref<48x768xf32, #tpu.memory_space<hbm>>
    %dma_wait3A_191 = arith.constant 0 : i32
    %dma_wait3A_192 = arith.constant 0 : i32
    %dma_wait3A_193 = tpu.memref_slice %arg5[%mul3A_2, %dma_wait3A_191, %dma_wait3A_192] : memref<1024x50x768xf32, #tpu.memory_space<hbm>> -> memref<1x48x768xf32, #tpu.memory_space<hbm>>
    %dma_wait3A_194 = tpu.memref_squeeze %dma_wait3A_193 : memref<1x48x768xf32, #tpu.memory_space<hbm>> -> memref<48x768xf32, #tpu.memory_space<hbm>>
    tpu.wait_dma2 semaphore(%arg18 : memref<!tpu.dma_semaphore, #tpu.memory_space<semaphore_mem>>) src(%arg9 : memref<48x768xf32, #tpu.memory_space<vmem>>) dst(%dma_wait3A_194 : memref<48x768xf32, #tpu.memory_space<hbm>>)
    %dma_wait3A_195 = arith.constant 48 : i32
    %dma_wait3A_196 = arith.constant 0 : i32
    %dma_wait3A_197 = tpu.memref_slice %arg5[%mul3A_2, %dma_wait3A_195, %dma_wait3A_196] : memref<1024x50x768xf32, #tpu.memory_space<hbm>> -> memref<1x2x768xf32, #tpu.memory_space<hbm>>
    %dma_wait3A_198 = tpu.memref_squeeze %dma_wait3A_197 : memref<1x2x768xf32, #tpu.memory_space<hbm>> -> memref<2x768xf32, #tpu.memory_space<hbm>>
    %dma_wait3A_199 = arith.constant 48 : i32
    %dma_wait3A_200 = arith.constant 0 : i32
    %dma_wait3A_201 = tpu.memref_slice %arg5[%mul3A_2, %dma_wait3A_199, %dma_wait3A_200] : memref<1024x50x768xf32, #tpu.memory_space<hbm>> -> memref<1x2x768xf32, #tpu.memory_space<hbm>>
    %dma_wait3A_202 = tpu.memref_squeeze %dma_wait3A_201 : memref<1x2x768xf32, #tpu.memory_space<hbm>> -> memref<2x768xf32, #tpu.memory_space<hbm>>
    tpu.wait_dma2 semaphore(%arg18 : memref<!tpu.dma_semaphore, #tpu.memory_space<semaphore_mem>>) src(%arg12 : memref<2x768xf32, #tpu.memory_space<vmem>>) dst(%dma_wait3A_202 : memref<2x768xf32, #tpu.memory_space<hbm>>)
    %dma_wait3A_203 = arith.constant 0 : i32
    %dma_wait3A_204 = arith.constant 0 : i32
    %dma_wait3A_205 = tpu.memref_slice %arg5[%mul3A_2, %dma_wait3A_203, %dma_wait3A_204] : memref<1024x50x768xf32, #tpu.memory_space<hbm>> -> memref<1x48x768xf32, #tpu.memory_space<hbm>>
    %dma_wait3A_206 = tpu.memref_squeeze %dma_wait3A_205 : memref<1x48x768xf32, #tpu.memory_space<hbm>> -> memref<48x768xf32, #tpu.memory_space<hbm>>
    %dma_wait3A_207 = arith.constant 0 : i32
    %dma_wait3A_208 = arith.constant 0 : i32
    %dma_wait3A_209 = tpu.memref_slice %arg5[%mul3A_2, %dma_wait3A_207, %dma_wait3A_208] : memref<1024x50x768xf32, #tpu.memory_space<hbm>> -> memref<1x48x768xf32, #tpu.memory_space<hbm>>
    %dma_wait3A_210 = tpu.memref_squeeze %dma_wait3A_209 : memref<1x48x768xf32, #tpu.memory_space<hbm>> -> memref<48x768xf32, #tpu.memory_space<hbm>>
    tpu.wait_dma2 semaphore(%arg19 : memref<!tpu.dma_semaphore, #tpu.memory_space<semaphore_mem>>) src(%arg10 : memref<48x768xf32, #tpu.memory_space<vmem>>) dst(%dma_wait3A_210 : memref<48x768xf32, #tpu.memory_space<hbm>>)
    %dma_wait3A_211 = arith.constant 48 : i32
    %dma_wait3A_212 = arith.constant 0 : i32
    %dma_wait3A_213 = tpu.memref_slice %arg5[%mul3A_2, %dma_wait3A_211, %dma_wait3A_212] : memref<1024x50x768xf32, #tpu.memory_space<hbm>> -> memref<1x2x768xf32, #tpu.memory_space<hbm>>
    %dma_wait3A_214 = tpu.memref_squeeze %dma_wait3A_213 : memref<1x2x768xf32, #tpu.memory_space<hbm>> -> memref<2x768xf32, #tpu.memory_space<hbm>>
    %dma_wait3A_215 = arith.constant 48 : i32
    %dma_wait3A_216 = arith.constant 0 : i32
    %dma_wait3A_217 = tpu.memref_slice %arg5[%mul3A_2, %dma_wait3A_215, %dma_wait3A_216] : memref<1024x50x768xf32, #tpu.memory_space<hbm>> -> memref<1x2x768xf32, #tpu.memory_space<hbm>>
    %dma_wait3A_218 = tpu.memref_squeeze %dma_wait3A_217 : memref<1x2x768xf32, #tpu.memory_space<hbm>> -> memref<2x768xf32, #tpu.memory_space<hbm>>
    tpu.wait_dma2 semaphore(%arg19 : memref<!tpu.dma_semaphore, #tpu.memory_space<semaphore_mem>>) src(%arg13 : memref<2x768xf32, #tpu.memory_space<vmem>>) dst(%dma_wait3A_218 : memref<2x768xf32, #tpu.memory_space<hbm>>)
    return
  }
}

</mosaic_0001>

<sc_bundles>
// kernel: _sc_gather.3.cloned.1.call-start
scs
__scs_entry_jumppad:
0x0: {  	(pc) =	sbr.rel $0x88, $3  }
0x1: {  	(tag) =	ssettag $0x0;
	lr =	simm.s32 $0x1  }
0x2: {  	[smem:$0x3F9E] =	sst lr;
	_ =	strace $0xD0000000  }
0x3: {  	_ = 	snop  }
0x4: {  	_ = 	snop  }
0x5: {  	_ = 	snop  }
0x6: {  	_ = 	snop  }
0x7: {  	_ = 	snop  }
__scs_overlays_trampoline_lowered:
0x8: {  	[smem:$0x3FAD] =	sst s0  }
0x9: {  	[smem:$0x3FAE] =	sst s1  }
0xa: {  	[smem:$0x3FAF] =	sst s2  }
0xb: {  	[smem:$0x3FB0] =	sst s3  }
0xc: {  	[smem:$0x3FB1] =	sst s4  }
0xd: {  	[smem:$0x3FB2] =	sst s5  }
0xe: {  	[smem:$0x3FB3] =	sst s6  }
0xf: {  	[smem:$0x3FB4] =	sst s7  }
0x10: {  	[smem:$0x3FB5] =	sst s8  }
0x11: {  	[smem:$0x3FB6] =	sst s9;
	s0 =	simm.s32 @!p0 $0x0  }
0x12: {  	s1 =	sld [smem:$0x3F9C];
	s0 =	simm.s32 @p0 $0x1  }
0x13: {  	[smem:$0x3FB7] =	sst s0;
	s0 =	simm.s32 @!p1 $0x0  }
0x14: {  	s2 =	sld [smem:$0x3F9B];
	s0 =	simm.s32 @p1 $0x1  }
0x15: {  	[smem:$0x3FB8] =	sst s0;
	s0 =	simm.s32 @!p2 $0x0  }
0x16: {  	s3 =	sld [smem:$0x3FDB];
	s0 =	simm.s32 @p2 $0x1  }
0x17: {  	s4 =	simm.s32 $0x1BF5;
	[smem:$0x3FBA] =	sst s0  }
0x18: {  	s0 =	sld [smem:$0x3F9D];
	_ =	swait.ge [sflag:s4], $0x0  }
0x19: {  	s7 =	sld [smem:$0x3F9E]  }
0x1a: {  	s8 =	sadd.s32 $0xFFFFE003, lr  }
0x1b: {  	s9 =	sadd.s32 $0xFFFFFEF7, lr;
	s5 =	simm.s32 $0xFFFFFFFF;
	p2 =	slt.u32 s8, $0xFFFFF086  }
0x1c: {  	p1 =	slt.u32 s9, $0xF7A;
	s5 =	simm.s32 @!p2 $0x0  }
0x1d: {  	s5 =	simm.s32 @p1 $0x1;
	p0 =	seq.s32 s7, s2  }
0x1e: {  	s7 =	smul.u32 @!p0 $0xF7A, s2;
	p2 =	seq.s32 @!p0 s5, $0x0  }
0x1f: {  	s9 =	smul.u32 $0xF7A, s1;
	s8 =	simm.s32 @!p0 $0x1BF5;
	p2 =	por !p2, p0  }
0x20: {  	[sflag:s8] =	ssyncset.s32 @!p0 $0xFFFFF086;
	s6 =	sadd.s32 @!p0 s3, s7;
	s7 =	simm.s32 @!p0 $0x108  }
0x21: {  	s3 =	sadd.s32 s3, s9;
	s6 =	sadd.s32 @!p0 $0x88, s6;
	s7 =	simm.s32 @p2 $0x1082  }
0x22: {  	[simem:s7], [sflag:s8] =	dma.local @!p0 [hbm:s6], $0xF7A  }
0x23: {  	s9 =	sor.u32 $0xD0000000, s2;
	s6 =	simm.s32 $0x108;
	_ =	swait.ge @!p0 [sflag:s8], $0x0  }
0x24: {  	s3 =	sadd.s32 $0x88, s3;
	s6 =	simm.s32 @!p1 $0x1082;
	[sflag:s4] =	ssyncset.s32 $0xFFFFF086  }
0x25: {  	[simem:s6], [sflag:s4] =	dma.local [hbm:s3], $0xF7A  }
0x26: {  	[smem:$0x3F9E] =	sst s1;
	(tag) =	ssettag s2;
	_ =	strace s9  }
0x27: {  	s1 =	sld [smem:$0x3FAE]  }
0x28: {  	s2 =	sld [smem:$0x3FAF]  }
0x29: {  	s4 =	sld [smem:$0x3FB1]  }
0x2a: {  	p0 =	seq.s32 s5, $0x0;
	s5 =	sld [smem:$0x3FB2]  }
0x2b: {  	s6 =	sld [smem:$0x3FB3]  }
0x2c: {  	s7 =	sld [smem:$0x3FB4]  }
0x2d: {  	s3 =	simm.s32 $0x108;
	s8 =	sld [smem:$0x3FB5]  }
0x2e: {  	s3 =	simm.s32 @!p0 $0x1082;
	s9 =	sld [smem:$0x3FB6]  }
0x2f: {  	lr =	sadd.s32 s0, s3;
	s0 =	sld [smem:$0x3FAD]  }
0x30: {  	s3 =	sld [smem:$0x3FB0]  }
0x31: {  	[smem:$0x3FB9] =	sst s10  }
0x32: {  	s10 =	sld [smem:$0x3FB7];
	_ =	sdelay $0x3  }
0x33: {  	p0 =	seq.s32 s10, $0x1;
	s10 =	sld [smem:$0x3FB9];
	_ =	sdelay $0x3  }
0x34: {  	[smem:$0x3FB9] =	sst s10  }
0x35: {  	s10 =	sld [smem:$0x3FB8];
	_ =	sdelay $0x3  }
0x36: {  	p1 =	seq.s32 s10, $0x1;
	s10 =	sld [smem:$0x3FB9];
	_ =	sdelay $0x3  }
0x37: {  	[smem:$0x3FB9] =	sst s10  }
0x38: {  	s10 =	sld [smem:$0x3FBA]  }
0x39: {  	_ = 	snop;
	(pc) =	sbr.ind lr, $3  }
0x3a: {  	_ = 	snop  }
0x3b: {  	_ = 	snop  }
0x3c: {  	p2 =	seq.s32 s10, $0x1;
	s10 =	sld [smem:$0x3FB9]  }
0x3d: {  	_ =	shalt  }
0x3e: {  	_ =	shalt  }
0x3f: {  	_ =	shalt  }
0x40: {  	_ =	shalt  }
0x41: {  	_ =	shalt  }
0x42: {  	_ =	shalt  }
0x43: {  	_ =	shalt  }
0x44: {  	_ =	shalt  }
0x45: {  	_ =	shalt  }
0x46: {  	_ =	shalt  }
0x47: {  	_ =	shalt  }
0x48: {  	_ =	shalt  }
0x49: {  	_ =	shalt  }
0x4a: {  	_ =	shalt  }
0x4b: {  	_ =	shalt  }
0x4c: {  	_ =	shalt  }
0x4d: {  	_ =	shalt  }
0x4e: {  	_ =	shalt  }
0x4f: {  	_ =	shalt  }
0x50: {  	_ =	shalt  }
0x51: {  	_ =	shalt  }
0x52: {  	_ =	shalt  }
0x53: {  	_ =	shalt  }
0x54: {  	_ =	shalt  }
0x55: {  	_ =	shalt  }
0x56: {  	_ =	shalt  }
0x57: {  	_ =	shalt  }
0x58: {  	_ =	shalt  }
0x59: {  	_ =	shalt  }
0x5a: {  	_ =	shalt  }
0x5b: {  	_ =	shalt  }
0x5c: {  	_ =	shalt  }
0x5d: {  	_ =	shalt  }
0x5e: {  	_ =	shalt  }
0x5f: {  	_ =	shalt  }
0x60: {  	_ =	shalt  }
0x61: {  	_ =	shalt  }
0x62: {  	_ =	shalt  }
0x63: {  	_ =	shalt  }
0x64: {  	_ =	shalt  }
0x65: {  	_ =	shalt  }
0x66: {  	_ =	shalt  }
0x67: {  	_ =	shalt  }
0x68: {  	_ =	shalt  }
0x69: {  	_ =	shalt  }
0x6a: {  	_ =	shalt  }
0x6b: {  	_ =	shalt  }
0x6c: {  	_ =	shalt  }
0x6d: {  	_ =	shalt  }
0x6e: {  	_ =	shalt  }
0x6f: {  	_ =	shalt  }
0x70: {  	_ =	shalt  }
0x71: {  	_ =	shalt  }
0x72: {  	_ =	shalt  }
0x73: {  	_ =	shalt  }
0x74: {  	_ =	shalt  }
0x75: {  	_ =	shalt  }
0x76: {  	_ =	shalt  }
0x77: {  	_ =	shalt  }
0x78: {  	_ =	shalt  }
0x79: {  	_ =	shalt  }
0x7a: {  	_ =	shalt  }
0x7b: {  	_ =	shalt  }
0x7c: {  	_ =	shalt  }
0x7d: {  	_ =	shalt  }
0x7e: {  	_ =	shalt  }
0x7f: {  	_ =	shalt  }
0x80: {  	_ =	shalt  }
0x81: {  	_ =	shalt  }
0x82: {  	_ =	shalt  }
0x83: {  	_ =	shalt  }
0x84: {  	_ =	shalt  }
0x85: {  	_ =	shalt  }
0x86: {  	_ =	shalt  }
0x87: {  	_ =	shalt  }
.Lfunc_end0:
.L_simem_size_0:
called_computation_lowered:
.L_overlay_start_0:
0x88: {  	s2 =	sld [smem:$0x3FD9]  }
0x89: {  	s3 =	sld [smem:$0x3FFE];
	_ =	sdelay $0x1  }
0x8a: {  	s1 =	srdreg.scid  }
0x8b: {  	s0 =	sand.u32 $0x1, s1  }
0x8c: {  	s17 =	sshll.u32 s0, $0xA;
	s2 =	sadd.s32 s3, s2  }
0x8d: {  	s2 =	sadd.s32 s2, s17  }
0x8e: {  	[smem:$0x3FC5] =	sst s2  }
0x8f: {  	_ = 	snop  }
0x90: {  	s2 =	sld [smem:$0x3FC9]  }
0x91: {  	s18 =	sld [smem:$0x3FC8]  }
0x92: {  	s4 =	sld [smem:$0x3FD0];
	(tm) =	ssettm $0x1  }
0x93: {  	s5 =	sld [smem:$0x3FFB];
	_ =	sdelay $0x3  }
0x94: {  	_ =	strace s5  }
0x95: {  	s5 =	sld [smem:$0x3FFC];
	_ =	sdelay $0x3  }
0x96: {  	_ =	strace s5  }
0x97: {  	s5 =	sld [smem:$0x3FFD];
	_ =	sdelay $0x3  }
0x98: {  	_ =	strace s5  }
0x99: {  	_ =	strace $0x8FFFFFFF  }
0x9a: {  	s19 =	sld [smem:$0x3FDB];
	_ =	sdelay $0x1  }
0x9b: {  	s6 =	simm.s32 $_scs_section_size  }
0x9c: {  	s7 =	simm.s32 $_size__tile_overlayer_lowered;
	s8 =	simm.s32 $_tile_overlayer_lowered  }
0x9d: {  	s22 =	simm.s32 $0x1BFF;
	s21 =	sshll.u32 s8, $0x1;
	s5 =	sadd.s32 s6, s19  }
0x9e: {  	s9 =	simm.s32 $0x0;
	s20 =	sshll.u32 s7, $0x1;
	s7 =	sadd.s32 s21, s5  }
0x9f: {  	[timem:s9], [sflag:s22] =	dma.local [hbm:s7], s20  }
0xa0: {  	_ =	swait.ge [sflag:s22], s20  }
0xa1: {  	s6 =	ssub.s32 $0x0, s20;
	[sflag:s22] =	ssyncset.done $0x0  }
0xa2: {  	[sflag:s22] =	ssyncadd.s32 s6;
	_ =	sdelay $0x1  }
0xa3: {  	s23 =	simm.s32 $0x1B8B  }
0xa4: {  	_ =	swait.ge [sflag:s23], $0x1  }
0xa5: {  	[sflag:s23] =	ssyncset.done $0x0  }
0xa6: {  	s25 =	simm.s32 $0x1B8E;
	s24 =	sld [smem:$0x3FFE];
	[sflag:s23] =	ssyncadd.s32 $0xFFFFFFFF  }
0xa7: {  	s26 =	simm.s32 $execute0_lowered;
	[smem:$0x3FD2] =	sst s25  }
0xa8: {  	s7 =	sshll.u32 s26, $0x1;
	_ =	strace $0x80000046;
	[dreg:$0x1] =	wrdreg $0xFFFFFFFF  }
0xa9: {  	s28 =	simm.s32 $_size_execute0_lowered;
	s5 =	sadd.s32 s5, s7;
	[dreg:$0x0] =	wrdreg $0x0  }
0xaa: {  	s7 =	sshll.u32 s28, $0x1;
	[dreg:$0x2] =	wrdreg s5  }
0xab: {  	[dreg:$0x3] =	wrdreg s7  }
0xac: {  	[dreg:$0x4] =	wrdreg $0xC0  }
0xad: {  	_ =	task [dreg:s9], $0x5FFFF  }
0xae: {  	[dreg:$0x1] =	wrdreg $0xFFFFFFFF  }
0xaf: {  	[dreg:$0x0] =	wrdreg $0x60  }
0xb0: {  	[dreg:$0x2] =	wrdreg s2  }
0xb1: {  	[dreg:$0x3] =	wrdreg s18  }
0xb2: {  	[dreg:$0x4] =	wrdreg s4  }
0xb3: {  	[dreg:$0x5] =	wrdreg s24  }
0xb4: {  	[dreg:$0x6] =	wrdreg $0x9  }
0xb5: {  	_ =	task.clear_ibuf [dreg:s9], $0x7FFFF;
	_ =	strace $0x90000046  }
0xb6: {  	s29 =	simm.s32 $0x9;
	_ =	strace $0x80000048  }
0xb7: {  	_ =	swait.ge [sflag:s29], $0x1  }
0xb8: {  	[sflag:s29] =	ssyncadd.s32 $0xFFFFFFFF  }
0xb9: {  	_ =	strace $0x90000048  }
0xba: {  	_ =	sfence  }
0xbb: {  	s30 =	sld [smem:$0x0];
	_ =	sdelay $0x2  }
0xbc: {  	s31 =	sshll.u32 s1, $0xD;
	s1 =	sshrl.u32 s1, $0x2  }
0xbd: {  	s3 =	sand.u32 $0x4000, s31;
	s1 =	sadd.s32 s1, s30  }
0xbe: {  	s0 =	sor.u32 s3, s0;
	s1 =	sshll.u32 s1, $0x11  }
0xbf: {  	s0 =	sor.u32 s1, s0  }
0xc0: {  	s0 =	sadd.s32 $0x8F2B, s0  }
0xc1: {  	[sflag:s0] =	ssyncadd.remote.s32 $0x1  }
0xc2: {  	_ =	sfence.sel $0xFFFF  }
0xc3: {  	[dreg:$0x0] =	wrdreg $0xFFFFFFFF;
	(pc) =	sbr.abs _section_cstart, $3  }
0xc4: {  	[dreg:$0x1] =	wrdreg $0xFFFFFFFF  }
0xc5: {  	_ =	task.clear_ibuf [dreg:s9], $0x2FFFF;
	_ =	strace $0x9FFFFFFF  }
0xc6: {  	(tm) =	ssettm $0x7FFFFFFF  }
0xc7: {  	_ =	shalt  }
tec
execute0_lowered:
.L_overlay_start_1:
0x0: {  	(tag) =	ssettag $0x1  }
0x1: {  	s1 =	rddreg [dreg:$0x0]  }
0x2: {  	s0 =	rddreg [dreg:$0x1]  }
0x3: {  	s2 =	rddreg [dreg:$0x2]  }
0x4: {  	s4 =	rddreg [dreg:$0x3]  }
0x5: {  	s5 =	srdreg.scid;
	s10 =	stileid.u32  }
0x6: {  	s3 =	simm.s32 $0x0;
	s11 =	simm.s32 $0x1D000;
	s12 =	simm.s32 $0xB000  }
0x7: {  	s28 =	simm.s32 $0x1DC00;
	s29 =	simm.s32 $0x4;
	s30 =	simm.s32 $0x5  }
0x8: {  	s5 =	sand.u32 $0x1, s5;
	s6 =	sshll.u32 s10, $0x1;
	[smem:$0x7FF] =	sst s3  }
0x9: {  	s4 =	sadd.s32 $0x400, s4;
	s14 =	smul.u32 $0x2A0000, s10;
	s10 =	simm.s32 $0x12000  }
0xa: {  	s7 =	ssub.s32 $0x2, s5;
	s6 =	sor.u32 s5, s6;
	_ =	strace $0x80000047  }
0xb: {  	s8 =	sshrl.u32 s7, $0x1;
	s9 =	smul.u32 $0x150000, s6;
	s6 =	sshll.u32 s6, $0x9  }
0xc: {  	s15 =	smul.u32 $0x150000, s5;
	s8 =	ssub.s32 s7, s8;
	s0 =	sadd.s32 s0, s6  }
0xd: {  	s2 =	sadd.s32 s2, s6;
	s6 =	sadd.s32 $0x100, s1;
	[dreg:$0x5] =	wrdreg s0  }
0xe: {  	s7 =	sadd.s32 $0x200, s1;
	s13 =	sshrl.u32 s9, $0x3;
	[dreg:$0x6] =	wrdreg s2  }
0xf: {  	s2 =	sadd.s32 s15, s14;
	s19 =	smax.u32 s8, $0x1;
	s0 =	sadd.s32 s4, s13  }
0x10: {  	[dreg:$0xb] =	wrdreg s19;
	s20 =	sor.u32 $0x9000, s2;
	s21 =	sshrl.u32 s2, $0x3  }
0x11: {  	s22 =	sadd.s32 $0x13800, s2;
	s24 =	sor.u32 $0xA800, s2;
	s25 =	sadd.s32 $0x1E000, s2  }
0x12: {  	s2 =	sadd.s32 $0x15000, s2;
	s19 =	simm.s32 $0xF000;
	s16 =	sadd.s32 $0x27600, s0  }
0x13: {  	s17 =	sadd.s32 $0x28800, s0;
	s18 =	sadd.s32 $0x28B00, s0;
	[dreg:$0x7] =	wrdreg s16  }
0x14: {  	s0 =	sadd.s32 $0x29D00, s0;
	s5 =	sadd.s32 s21, s4;
	[dreg:$0x8] =	wrdreg s17  }
0x15: {  	s23 =	sshrl.u32 s22, $0x3;
	s31 =	sshrl.u32 s2, $0x3;
	[dreg:$0x9] =	wrdreg s18  }
0x16: {  	s21 =	simm.s32 $0x2000;
	s22 =	simm.s32 $0x11000;
	[dreg:$0xa] =	wrdreg s0  }
0x17: {  	s0 =	sshrl.u32 s20, $0x3;
	[dreg:$0xc] =	wrdreg s5;
	s5 =	sshrl.u32 s25, $0x3  }
0x18: {  	s20 =	simm.s32 $0x2800;
	s17 =	simm.s32 $0xC800;
	s0 =	sadd.s32 s0, s4  }
.Ltmp0:
0x19: {  	[dreg:$0xd] =	wrdreg s0;
	s0 =	sadd.s32 s23, s4;
	(pc) =	sbr.rel .LBB2_1-.Ltmp0, $4  }
0x1a: {  	v3 =	vlaneseq.u32;
	s26 =	sadd.s32 s5, s4;
	[dreg:$0xe] =	wrdreg s0;
	s0 =	sshrl.u32 s24, $0x3  }
0x1b: {  	vm0 =	vmmov $0xffff;
	vm1 =	vmmov $0xfff;
	v1 =	vshrl.u32 v3, $0x3;
	s18 =	simm.s32 $0xD800;
	[dreg:$0x10] =	wrdreg s26;
	s0 =	sadd.s32 s0, s4  }
0x1c: {  	v0 =	vand.u32 $0x7, v3;
	v2 =	vor.u32 $0x8, v3;
	v4 =	vshrl.u32 v3, $0x1;
	s25 =	simm.s32 $0x1D600;
	[dreg:$0xf] =	wrdreg s0;
	s0 =	sadd.s32 s31, s4  }
0x1d: {  	v3 =	vand.u32 $0x1, v3;
	v1 =	vmul.u32 $0x8, v1;
	v4 =	vmul.u32 $0x8, v4;
	s24 =	simm.s32 $0x13000;
	s4 =	simm.s32 $0x0;
	[dreg:$0x11] =	wrdreg s0  }
.LBB2_4:
0x1e: {  	_ =	swait.ge [sflag:s29], $0x9000  }
0x1f: {  	[sflag:s29] =	ssyncset.done $0x0  }
0x20: {  	[sflag:s29] =	ssyncadd.s32 $0xFFFF7000  }
0x21: {  	_ =	swait.ge [sflag:s29], $0x600  }
0x22: {  	[sflag:s29] =	ssyncset.done $0x0  }
0x23: {  	[sflag:s29] =	ssyncadd.s32 $0xFFFFFA00  }
0x24: {  	v5 =	vld [tilespmem:$0xF00];
	_ =	sdelay $0x4  }
0x25: {  	v6 =	vshrl.u32 v5, $0x3  }
0x26: {  	v6 =	vmul.u32 $0x30, v6  }
0x27: {  	v5 =	vand.u32 $0x7, v5  }
0x28: {  	v5 =	vor.u32 v5, v6  }
0x29: {  	v6 =	vperm.xlane v5, v0;
	_ =	sdelay $0x1  }
0x2a: {  	v6 =	vadd.s32 v1, v6;
	_ =	sdelay $0x3  }
0x2b: {  	v5 =	vperm.xlane v5, v2  }
0x2c: {  	[tilespmem:s21], [sflag:$0x1] =	stream.indirect_vreg.gather [hbm4b:s1+s3], $0x80, v6, vm0, $0xb8;
	[tilespmem:$0x1E200] =	vst v63  }
0x2d: {  	s20 =	simm.s32 $0x2800;
	v5 =	vadd.s32 v1, v5  }
0x2e: {  	[tilespmem:s20], [sflag:$0x1] =	stream.indirect_vreg.gather [hbm4b:s6+s3], $0x80, v6, vm0, $0xb8;
	[tilespmem:$0x1E200] =	vst v63  }
0x2f: {  	_ = 	snop  }
0x30: {  	[tilespmem:s4], [sflag:$0x1] =	stream.indirect_vreg.gather [hbm4b:s7+s3], $0x80, v6, vm0, $0xb8;
	[tilespmem:$0x1E200] =	vst v63  }
0x31: {  	s0 =	simm.s32 $0x3800  }
0x32: {  	[tilespmem:s0], [sflag:$0x1] =	stream.indirect_vreg.gather [hbm4b:s1+s3], $0x80, v5, vm0, $0xb8;
	[tilespmem:$0x1E200] =	vst v63  }
0x33: {  	s4 =	simm.s32 $0x4000  }
0x34: {  	[tilespmem:s4], [sflag:$0x1] =	stream.indirect_vreg.gather [hbm4b:s6+s3], $0x80, v5, vm0, $0xb8;
	[tilespmem:$0x1E200] =	vst v63  }
0x35: {  	s23 =	simm.s32 $0x4800  }
0x36: {  	[tilespmem:s23], [sflag:$0x1] =	stream.indirect_vreg.gather [hbm4b:s7+s3], $0x80, v5, vm0, $0xb8;
	[tilespmem:$0x1E200] =	vst v63  }
0x37: {  	v5 =	vld [tilespmem:$0xF10];
	_ =	sdelay $0x4  }
0x38: {  	v6 =	vshrl.u32 v5, $0x3  }
0x39: {  	v6 =	vmul.u32 $0x30, v6  }
0x3a: {  	v5 =	vand.u32 $0x7, v5  }
0x3b: {  	v5 =	vor.u32 v5, v6  }
0x3c: {  	v6 =	vperm.xlane v5, v0;
	_ =	sdelay $0x1  }
0x3d: {  	v6 =	vadd.s32 v1, v6;
	_ =	sdelay $0x3  }
0x3e: {  	v5 =	vperm.xlane v5, v2  }
0x3f: {  	[tilespmem:s8], [sflag:$0x1] =	stream.indirect_vreg.gather [hbm4b:s1+s3], $0x80, v6, vm0, $0xb8;
	[tilespmem:$0x1E200] =	vst v63  }
0x40: {  	s26 =	simm.s32 $0x5800;
	v5 =	vadd.s32 v1, v5  }
0x41: {  	[tilespmem:s26], [sflag:$0x1] =	stream.indirect_vreg.gather [hbm4b:s6+s3], $0x80, v6, vm0, $0xb8;
	[tilespmem:$0x1E200] =	vst v63  }
0x42: {  	_ = 	snop  }
0x43: {  	[tilespmem:s5], [sflag:$0x1] =	stream.indirect_vreg.gather [hbm4b:s7+s3], $0x80, v6, vm0, $0xb8;
	[tilespmem:$0x1E200] =	vst v63  }
0x44: {  	s31 =	simm.s32 $0x6800  }
0x45: {  	[tilespmem:s31], [sflag:$0x1] =	stream.indirect_vreg.gather [hbm4b:s1+s3], $0x80, v5, vm0, $0xb8;
	[tilespmem:$0x1E200] =	vst v63  }
0x46: {  	_ = 	snop  }
0x47: {  	[tilespmem:s9], [sflag:$0x1] =	stream.indirect_vreg.gather [hbm4b:s6+s3], $0x80, v5, vm0, $0xb8;
	[tilespmem:$0x1E200] =	vst v63  }
0x48: {  	s2 =	simm.s32 $0x7800  }
0x49: {  	[tilespmem:s2], [sflag:$0x1] =	stream.indirect_vreg.gather [hbm4b:s7+s3], $0x80, v5, vm0, $0xb8;
	[tilespmem:$0x1E200] =	vst v63  }
0x4a: {  	v5 =	vld [tilespmem:$0xF20];
	_ =	sdelay $0x4  }
0x4b: {  	v6 =	vshrl.u32 v5, $0x3  }
0x4c: {  	v6 =	vmul.u32 $0x30, v6  }
0x4d: {  	v5 =	vand.u32 $0x7, v5  }
0x4e: {  	v5 =	vor.u32 v5, v6  }
0x4f: {  	v6 =	vperm.xlane v5, v0;
	_ =	sdelay $0x1  }
0x50: {  	v6 =	vadd.s32 v1, v6;
	_ =	sdelay $0x3  }
0x51: {  	v5 =	vperm.xlane v5, v2  }
0x52: {  	[tilespmem:s13], [sflag:$0x1] =	stream.indirect_vreg.gather [hbm4b:s1+s3], $0x80, v6, vm0, $0xb8;
	[tilespmem:$0x1E200] =	vst v63  }
0x53: {  	s4 =	simm.s32 $0x8800;
	v5 =	vadd.s32 v1, v5  }
0x54: {  	[tilespmem:s4], [sflag:$0x1] =	stream.indirect_vreg.gather [hbm4b:s6+s3], $0x80, v6, vm0, $0xb8;
	[tilespmem:$0x1E200] =	vst v63  }
0x55: {  	_ = 	snop  }
0x56: {  	[tilespmem:s14], [sflag:$0x1] =	stream.indirect_vreg.gather [hbm4b:s7+s3], $0x80, v6, vm0, $0xb8;
	[tilespmem:$0x1E200] =	vst v63  }
0x57: {  	s5 =	simm.s32 $0x9800  }
0x58: {  	[tilespmem:s5], [sflag:$0x1] =	stream.indirect_vreg.gather [hbm4b:s1+s3], $0x80, v5, vm0, $0xb8;
	[tilespmem:$0x1E200] =	vst v63  }
0x59: {  	_ = 	snop  }
0x5a: {  	[tilespmem:s15], [sflag:$0x1] =	stream.indirect_vreg.gather [hbm4b:s6+s3], $0x80, v5, vm0, $0xb8;
	[tilespmem:$0x1E200] =	vst v63  }
0x5b: {  	s8 =	simm.s32 $0xA800  }
0x5c: {  	[tilespmem:s8], [sflag:$0x1] =	stream.indirect_vreg.gather [hbm4b:s7+s3], $0x80, v5, vm0, $0xb8;
	[tilespmem:$0x1E200] =	vst v63  }
0x5d: {  	v5 =	vld.msk [tilespmem:$0x1F00], $0x3;
	_ =	sdelay $0x4  }
0x5e: {  	v6 =	vshrl.u32 v5, $0x3  }
0x5f: {  	v6 =	vmul.u32 $0x30, v6  }
0x60: {  	v5 =	vand.u32 $0x7, v5  }
0x61: {  	v5 =	vor.u32 v5, v6  }
0x62: {  	v5 =	vperm.xlane v5, v3;
	_ =	sdelay $0x1  }
0x63: {  	v5 =	vadd.s32 v4, v5;
	_ =	sdelay $0x4  }
0x64: {  	[tilespmem:s11], [sflag:$0x1] =	stream.indirect_vreg.gather [hbm4b:s1+s3], $0x80, v5, vm1, $0xb8;
	[tilespmem:$0x1E200] =	vst v63  }
0x65: {  	_ =	swait.ge [sflag:s30], $0x9000  }
0x66: {  	[sflag:s30] =	ssyncset.done $0x0  }
0x67: {  	[sflag:s30] =	ssyncadd.s32 $0xFFFF7000  }
0x68: {  	_ =	swait.ge [sflag:s30], $0x600  }
0x69: {  	[sflag:s30] =	ssyncset.done $0x0  }
0x6a: {  	[sflag:s30] =	ssyncadd.s32 $0xFFFFFA00  }
0x6b: {  	v5 =	vld [tilespmem:$0xF80];
	_ =	sdelay $0x4  }
0x6c: {  	v6 =	vshrl.u32 v5, $0x3  }
0x6d: {  	v6 =	vmul.u32 $0x30, v6  }
0x6e: {  	v5 =	vand.u32 $0x7, v5  }
0x6f: {  	v5 =	vor.u32 v5, v6  }
0x70: {  	v6 =	vperm.xlane v5, v0;
	_ =	sdelay $0x1  }
0x71: {  	v6 =	vadd.s32 v1, v6;
	_ =	sdelay $0x3  }
0x72: {  	v5 =	vperm.xlane v5, v2  }
0x73: {  	[tilespmem:s12], [sflag:$0x2] =	stream.indirect_vreg.gather [hbm4b:s1+s3], $0x80, v6, vm0, $0xb8;
	[tilespmem:$0x1E200] =	vst v63  }
0x74: {  	v5 =	vadd.s32 v1, v5  }
0x75: {  	[tilespmem:s16], [sflag:$0x2] =	stream.indirect_vreg.gather [hbm4b:s6+s3], $0x80, v6, vm0, $0xb8;
	[tilespmem:$0x1E200] =	vst v63  }
0x76: {  	s9 =	simm.s32 $0xC000  }
0x77: {  	[tilespmem:s9], [sflag:$0x2] =	stream.indirect_vreg.gather [hbm4b:s7+s3], $0x80, v6, vm0, $0xb8;
	[tilespmem:$0x1E200] =	vst v63  }
0x78: {  	_ = 	snop  }
0x79: {  	[tilespmem:s17], [sflag:$0x2] =	stream.indirect_vreg.gather [hbm4b:s1+s3], $0x80, v5, vm0, $0xb8;
	[tilespmem:$0x1E200] =	vst v63  }
0x7a: {  	s13 =	simm.s32 $0xD000  }
0x7b: {  	[tilespmem:s13], [sflag:$0x2] =	stream.indirect_vreg.gather [hbm4b:s6+s3], $0x80, v5, vm0, $0xb8;
	[tilespmem:$0x1E200] =	vst v63  }
0x7c: {  	_ = 	snop  }
0x7d: {  	[tilespmem:s18], [sflag:$0x2] =	stream.indirect_vreg.gather [hbm4b:s7+s3], $0x80, v5, vm0, $0xb8;
	[tilespmem:$0x1E200] =	vst v63  }
0x7e: {  	v5 =	vld [tilespmem:$0xF90];
	_ =	sdelay $0x4  }
0x7f: {  	v6 =	vshrl.u32 v5, $0x3  }
0x80: {  	v6 =	vmul.u32 $0x30, v6  }
0x81: {  	v5 =	vand.u32 $0x7, v5  }
0x82: {  	v5 =	vor.u32 v5, v6  }
0x83: {  	v6 =	vperm.xlane v5, v0;
	_ =	sdelay $0x1  }
0x84: {  	v6 =	vadd.s32 v1, v6;
	_ =	sdelay $0x3  }
0x85: {  	s14 =	simm.s32 $0xE000;
	v5 =	vperm.xlane v5, v2  }
0x86: {  	[tilespmem:s14], [sflag:$0x2] =	stream.indirect_vreg.gather [hbm4b:s1+s3], $0x80, v6, vm0, $0xb8;
	[tilespmem:$0x1E200] =	vst v63  }
0x87: {  	s15 =	simm.s32 $0xE800;
	v5 =	vadd.s32 v1, v5  }
0x88: {  	[tilespmem:s15], [sflag:$0x2] =	stream.indirect_vreg.gather [hbm4b:s6+s3], $0x80, v6, vm0, $0xb8;
	[tilespmem:$0x1E200] =	vst v63  }
0x89: {  	_ = 	snop  }
0x8a: {  	[tilespmem:s19], [sflag:$0x2] =	stream.indirect_vreg.gather [hbm4b:s7+s3], $0x80, v6, vm0, $0xb8;
	[tilespmem:$0x1E200] =	vst v63  }
0x8b: {  	s16 =	simm.s32 $0xF800  }
0x8c: {  	[tilespmem:s16], [sflag:$0x2] =	stream.indirect_vreg.gather [hbm4b:s1+s3], $0x80, v5, vm0, $0xb8;
	[tilespmem:$0x1E200] =	vst v63  }
0x8d: {  	s23 =	simm.s32 $0x10000  }
0x8e: {  	[tilespmem:s23], [sflag:$0x2] =	stream.indirect_vreg.gather [hbm4b:s6+s3], $0x80, v5, vm0, $0xb8;
	[tilespmem:$0x1E200] =	vst v63  }
0x8f: {  	s26 =	simm.s32 $0x10800  }
0x90: {  	[tilespmem:s26], [sflag:$0x2] =	stream.indirect_vreg.gather [hbm4b:s7+s3], $0x80, v5, vm0, $0xb8;
	[tilespmem:$0x1E200] =	vst v63  }
0x91: {  	v5 =	vld [tilespmem:$0xFA0];
	_ =	sdelay $0x4  }
0x92: {  	v6 =	vshrl.u32 v5, $0x3  }
0x93: {  	v6 =	vmul.u32 $0x30, v6  }
0x94: {  	v5 =	vand.u32 $0x7, v5  }
0x95: {  	v5 =	vor.u32 v5, v6  }
0x96: {  	v6 =	vperm.xlane v5, v0;
	_ =	sdelay $0x1  }
0x97: {  	v6 =	vadd.s32 v1, v6;
	_ =	sdelay $0x3  }
0x98: {  	v5 =	vperm.xlane v5, v2  }
0x99: {  	[tilespmem:s22], [sflag:$0x2] =	stream.indirect_vreg.gather [hbm4b:s1+s3], $0x80, v6, vm0, $0xb8;
	[tilespmem:$0x1E200] =	vst v63  }
0x9a: {  	s31 =	simm.s32 $0x11800;
	v5 =	vadd.s32 v1, v5  }
0x9b: {  	[tilespmem:s31], [sflag:$0x2] =	stream.indirect_vreg.gather [hbm4b:s6+s3], $0x80, v6, vm0, $0xb8;
	[tilespmem:$0x1E200] =	vst v63  }
0x9c: {  	_ = 	snop  }
0x9d: {  	[tilespmem:s10], [sflag:$0x2] =	stream.indirect_vreg.gather [hbm4b:s7+s3], $0x80, v6, vm0, $0xb8;
	[tilespmem:$0x1E200] =	vst v63  }
0x9e: {  	s2 =	simm.s32 $0x12800  }
0x9f: {  	[tilespmem:s2], [sflag:$0x2] =	stream.indirect_vreg.gather [hbm4b:s1+s3], $0x80, v5, vm0, $0xb8;
	[tilespmem:$0x1E200] =	vst v63  }
0xa0: {  	_ = 	snop  }
0xa1: {  	[tilespmem:s24], [sflag:$0x2] =	stream.indirect_vreg.gather [hbm4b:s6+s3], $0x80, v5, vm0, $0xb8;
	[tilespmem:$0x1E200] =	vst v63  }
0xa2: {  	s4 =	simm.s32 $0x13800  }
0xa3: {  	[tilespmem:s4], [sflag:$0x2] =	stream.indirect_vreg.gather [hbm4b:s7+s3], $0x80, v5, vm0, $0xb8;
	[tilespmem:$0x1E200] =	vst v63  }
0xa4: {  	v5 =	vld.msk [tilespmem:$0x1F80], $0x3;
	_ =	sdelay $0x4  }
0xa5: {  	v6 =	vshrl.u32 v5, $0x3  }
0xa6: {  	v6 =	vmul.u32 $0x30, v6  }
0xa7: {  	v5 =	vand.u32 $0x7, v5  }
0xa8: {  	v5 =	vor.u32 v5, v6  }
0xa9: {  	v5 =	vperm.xlane v5, v3;
	_ =	sdelay $0x1  }
0xaa: {  	v5 =	vadd.s32 v4, v5;
	_ =	sdelay $0x3  }
0xab: {  	s5 =	simm.s32 $0x1  }
0xac: {  	[tilespmem:s25], [sflag:$0x2] =	stream.indirect_vreg.gather [hbm4b:s1+s3], $0x80, v5, vm1, $0xb8;
	[tilespmem:$0x1E200] =	vst v63  }
0xad: {  	_ =	swait.ge [sflag:s5], $0x9000  }
0xae: {  	[sflag:s5] =	ssyncset.done $0x0  }
0xaf: {  	[sflag:s5] =	ssyncadd.s32 $0xFFFF7000  }
0xb0: {  	_ =	swait.ge [sflag:s5], $0x600  }
0xb1: {  	[sflag:s5] =	ssyncset.done $0x0  }
0xb2: {  	s13 =	simm.s32 $0x400;
	s8 =	rddreg [dreg:$0x7];
	[sflag:s5] =	ssyncadd.s32 $0xFFFFFA00  }
0xb3: {  	[hbm4b:s8+s3] =	stream.linear.scatter [tilespmem:s21], [sflag:$0x4], $0x9000, $0x38;
	[tilespmem:$0x1E200] =	vst v63  }
0xb4: {  	s14 =	simm.s32 $0x2;
	s2 =	simm.s32 $0x100;
	s9 =	rddreg [dreg:$0x8]  }
0xb5: {  	[hbm4b:s9+s2] =	stream.strided.scatter [tilespmem:s11], [sflag:$0x4], $0x600, s13, s2, $0x38;
	[tilespmem:$0x1E200] =	vst v63  }
0xb6: {  	_ =	swait.ge [sflag:s14], $0x9000  }
0xb7: {  	[sflag:s14] =	ssyncset.done $0x0  }
0xb8: {  	[sflag:s14] =	ssyncadd.s32 $0xFFFF7000  }
0xb9: {  	_ =	swait.ge [sflag:s14], $0x600  }
0xba: {  	[sflag:s14] =	ssyncset.done $0x0  }
0xbb: {  	s15 =	rddreg [dreg:$0x9];
	[sflag:s14] =	ssyncadd.s32 $0xFFFFFA00  }
0xbc: {  	[hbm4b:s15+s3] =	stream.linear.scatter [tilespmem:s12], [sflag:$0x5], $0x9000, $0x38;
	[tilespmem:$0x1E200] =	vst v63  }
0xbd: {  	s16 =	rddreg [dreg:$0xa]  }
0xbe: {  	[hbm4b:s16+s2] =	stream.strided.scatter [tilespmem:s25], [sflag:$0x5], $0x600, s13, s2, $0x38;
	[tilespmem:$0x1E200] =	vst v63  }
0xbf: {  	_ =	swait.ge [sflag:s29], $0x9000  }
0xc0: {  	[sflag:s29] =	ssyncset.done $0x0  }
0xc1: {  	[sflag:s29] =	ssyncadd.s32 $0xFFFF7000  }
0xc2: {  	_ =	swait.ge [sflag:s29], $0x600  }
0xc3: {  	[sflag:s29] =	ssyncset.done $0x0  }
0xc4: {  	[sflag:s29] =	ssyncadd.s32 $0xFFFFFA00  }
0xc5: {  	_ =	swait.ge [sflag:s30], $0x9000  }
0xc6: {  	[sflag:s30] =	ssyncset.done $0x0  }
0xc7: {  	[sflag:s30] =	ssyncadd.s32 $0xFFFF7000  }
0xc8: {  	_ =	swait.ge [sflag:s30], $0x600  }
0xc9: {  	[sflag:s30] =	ssyncset.done $0x0  }
0xca: {  	s23 =	simm.s32 $0x6;
	[sflag:s30] =	ssyncadd.s32 $0xFFFFFA00  }
0xcb: {  	_ =	swait.ge [sflag:s23], $0x9000  }
0xcc: {  	[sflag:s23] =	ssyncset.done $0x0  }
0xcd: {  	[sflag:s23] =	ssyncadd.s32 $0xFFFF7000  }
0xce: {  	_ =	swait.ge [sflag:s23], $0x600  }
0xcf: {  	s26 =	rddreg [dreg:$0x12]  }
0xd0: {  	s31 =	rddreg [dreg:$0xb];
	s4 =	sadd.s32 $0x1, s26  }
0xd1: {  	p0 =	sne.s32 s4, s31  }
.Ltmp1:
0xd2: {  	_ = 	snop;
	(pc) =	sbr.rel @!p0 .LBB2_5-.Ltmp1, $3  }
0xd3: {  	_ =	sdelay $0x1  }
0xd4: {  	[sflag:s23] =	ssyncset.done $0x0  }
0xd5: {  	[sflag:s23] =	ssyncadd.s32 $0xFFFFFA00  }
.LBB2_1:
0xd6: {  	[dreg:$0x12] =	wrdreg s4  }
0xd7: {  	s0 =	rddreg [dreg:$0x5];
	s2 =	simm.s32 $0x7  }
0xd8: {  	[tilespmem:s3], [sflag:$0x7] =	stream.linear.gather [hbm4b:s0+s3], $0x1000, $0x38;
	[tilespmem:$0x1E200] =	vst v63  }
0xd9: {  	_ =	swait.ge [sflag:s2], $0x1000  }
0xda: {  	[sflag:s2] =	ssyncset.done $0x0  }
0xdb: {  	s4 =	simm.s32 $0x1000;
	s0 =	rddreg [dreg:$0x6];
	[sflag:s2] =	ssyncadd.s32 $0xFFFFF000  }
0xdc: {  	[tilespmem:s4], [sflag:$0x7] =	stream.linear.gather [hbm4b:s0+s3], $0x1000, $0x38;
	[tilespmem:$0x1E200] =	vst v63  }
0xdd: {  	_ =	swait.ge [sflag:s2], $0x1000  }
0xde: {  	[sflag:s2] =	ssyncset.done $0x0  }
0xdf: {  	[sflag:s2] =	ssyncadd.s32 $0xFFFFF000  }
0xe0: {  	v5 =	vld [tilespmem:$0x0];
	_ =	sdelay $0x4  }
0xe1: {  	v6 =	vshrl.u32 v5, $0x3  }
0xe2: {  	v6 =	vmul.u32 $0x30, v6  }
0xe3: {  	v5 =	vand.u32 $0x7, v5  }
0xe4: {  	v5 =	vor.u32 v5, v6  }
0xe5: {  	v6 =	vperm.xlane v5, v0;
	_ =	sdelay $0x1  }
0xe6: {  	v6 =	vadd.s32 v1, v6;
	_ =	sdelay $0x3  }
0xe7: {  	v5 =	vperm.xlane v5, v2  }
0xe8: {  	[tilespmem:s21], [sflag:$0x1] =	stream.indirect_vreg.gather [hbm4b:s1+s3], $0x80, v6, vm0, $0xb8;
	[tilespmem:$0x1E200] =	vst v63  }
0xe9: {  	v5 =	vadd.s32 v1, v5  }
0xea: {  	[tilespmem:s20], [sflag:$0x1] =	stream.indirect_vreg.gather [hbm4b:s6+s3], $0x80, v6, vm0, $0xb8;
	[tilespmem:$0x1E200] =	vst v63  }
0xeb: {  	s4 =	simm.s32 $0x3000  }
0xec: {  	[tilespmem:s4], [sflag:$0x1] =	stream.indirect_vreg.gather [hbm4b:s7+s3], $0x80, v6, vm0, $0xb8;
	[tilespmem:$0x1E200] =	vst v63  }
0xed: {  	s9 =	simm.s32 $0x3800  }
0xee: {  	[tilespmem:s9], [sflag:$0x1] =	stream.indirect_vreg.gather [hbm4b:s1+s3], $0x80, v5, vm0, $0xb8;
	[tilespmem:$0x1E200] =	vst v63  }
0xef: {  	s2 =	simm.s32 $0x4000  }
0xf0: {  	[tilespmem:s2], [sflag:$0x1] =	stream.indirect_vreg.gather [hbm4b:s6+s3], $0x80, v5, vm0, $0xb8;
	[tilespmem:$0x1E200] =	vst v63  }
0xf1: {  	s8 =	simm.s32 $0x4800  }
0xf2: {  	[tilespmem:s8], [sflag:$0x1] =	stream.indirect_vreg.gather [hbm4b:s7+s3], $0x80, v5, vm0, $0xb8;
	[tilespmem:$0x1E200] =	vst v63  }
0xf3: {  	v5 =	vld [tilespmem:$0x10];
	_ =	sdelay $0x4  }
0xf4: {  	v6 =	vshrl.u32 v5, $0x3  }
0xf5: {  	v6 =	vmul.u32 $0x30, v6  }
0xf6: {  	v5 =	vand.u32 $0x7, v5  }
0xf7: {  	v5 =	vor.u32 v5, v6  }
0xf8: {  	v6 =	vperm.xlane v5, v0;
	_ =	sdelay $0x1  }
0xf9: {  	v6 =	vadd.s32 v1, v6;
	_ =	sdelay $0x3  }
0xfa: {  	s8 =	simm.s32 $0x5000;
	v5 =	vperm.xlane v5, v2  }
0xfb: {  	[tilespmem:s8], [sflag:$0x1] =	stream.indirect_vreg.gather [hbm4b:s1+s3], $0x80, v6, vm0, $0xb8;
	[tilespmem:$0x1E200] =	vst v63  }
0xfc: {  	s5 =	simm.s32 $0x5800;
	v5 =	vadd.s32 v1, v5  }
0xfd: {  	[tilespmem:s5], [sflag:$0x1] =	stream.indirect_vreg.gather [hbm4b:s6+s3], $0x80, v6, vm0, $0xb8;
	[tilespmem:$0x1E200] =	vst v63  }
0xfe: {  	s5 =	simm.s32 $0x6000  }
0xff: {  	[tilespmem:s5], [sflag:$0x1] =	stream.indirect_vreg.gather [hbm4b:s7+s3], $0x80, v6, vm0, $0xb8;
	[tilespmem:$0x1E200] =	vst v63  }
0x100: {  	s4 =	simm.s32 $0x6800  }
0x101: {  	[tilespmem:s4], [sflag:$0x1] =	stream.indirect_vreg.gather [hbm4b:s1+s3], $0x80, v5, vm0, $0xb8;
	[tilespmem:$0x1E200] =	vst v63  }
0x102: {  	s9 =	simm.s32 $0x7000  }
0x103: {  	[tilespmem:s9], [sflag:$0x1] =	stream.indirect_vreg.gather [hbm4b:s6+s3], $0x80, v5, vm0, $0xb8;
	[tilespmem:$0x1E200] =	vst v63  }
0x104: {  	s13 =	simm.s32 $0x7800  }
0x105: {  	[tilespmem:s13], [sflag:$0x1] =	stream.indirect_vreg.gather [hbm4b:s7+s3], $0x80, v5, vm0, $0xb8;
	[tilespmem:$0x1E200] =	vst v63  }
0x106: {  	v5 =	vld [tilespmem:$0x20];
	_ =	sdelay $0x4  }
0x107: {  	v6 =	vshrl.u32 v5, $0x3  }
0x108: {  	v6 =	vmul.u32 $0x30, v6  }
0x109: {  	v5 =	vand.u32 $0x7, v5  }
0x10a: {  	v5 =	vor.u32 v5, v6  }
0x10b: {  	v6 =	vperm.xlane v5, v0;
	_ =	sdelay $0x1  }
0x10c: {  	v6 =	vadd.s32 v1, v6;
	_ =	sdelay $0x3  }
0x10d: {  	s13 =	simm.s32 $0x8000;
	v5 =	vperm.xlane v5, v2  }
0x10e: {  	[tilespmem:s13], [sflag:$0x1] =	stream.indirect_vreg.gather [hbm4b:s1+s3], $0x80, v6, vm0, $0xb8;
	[tilespmem:$0x1E200] =	vst v63  }
0x10f: {  	s14 =	simm.s32 $0x8800;
	v5 =	vadd.s32 v1, v5  }
0x110: {  	[tilespmem:s14], [sflag:$0x1] =	stream.indirect_vreg.gather [hbm4b:s6+s3], $0x80, v6, vm0, $0xb8;
	[tilespmem:$0x1E200] =	vst v63  }
0x111: {  	s14 =	simm.s32 $0x9000  }
0x112: {  	[tilespmem:s14], [sflag:$0x1] =	stream.indirect_vreg.gather [hbm4b:s7+s3], $0x80, v6, vm0, $0xb8;
	[tilespmem:$0x1E200] =	vst v63  }
0x113: {  	s15 =	simm.s32 $0x9800  }
0x114: {  	[tilespmem:s15], [sflag:$0x1] =	stream.indirect_vreg.gather [hbm4b:s1+s3], $0x80, v5, vm0, $0xb8;
	[tilespmem:$0x1E200] =	vst v63  }
0x115: {  	s15 =	simm.s32 $0xA000  }
0x116: {  	[tilespmem:s15], [sflag:$0x1] =	stream.indirect_vreg.gather [hbm4b:s6+s3], $0x80, v5, vm0, $0xb8;
	[tilespmem:$0x1E200] =	vst v63  }
0x117: {  	s16 =	simm.s32 $0xA800  }
0x118: {  	[tilespmem:s16], [sflag:$0x1] =	stream.indirect_vreg.gather [hbm4b:s7+s3], $0x80, v5, vm0, $0xb8;
	[tilespmem:$0x1E200] =	vst v63  }
0x119: {  	v5 =	vld.msk [tilespmem:$0x1000], $0x3;
	_ =	sdelay $0x4  }
0x11a: {  	v6 =	vshrl.u32 v5, $0x3  }
0x11b: {  	v6 =	vmul.u32 $0x30, v6  }
0x11c: {  	v5 =	vand.u32 $0x7, v5  }
0x11d: {  	v5 =	vor.u32 v5, v6  }
0x11e: {  	v5 =	vperm.xlane v5, v3;
	_ =	sdelay $0x1  }
0x11f: {  	v5 =	vadd.s32 v4, v5;
	_ =	sdelay $0x4  }
0x120: {  	[tilespmem:s11], [sflag:$0x1] =	stream.indirect_vreg.gather [hbm4b:s1+s3], $0x80, v5, vm1, $0xb8;
	[tilespmem:$0x1E200] =	vst v63  }
0x121: {  	v5 =	vld [tilespmem:$0x80];
	_ =	sdelay $0x4  }
0x122: {  	v6 =	vshrl.u32 v5, $0x3  }
0x123: {  	v6 =	vmul.u32 $0x30, v6  }
0x124: {  	v5 =	vand.u32 $0x7, v5  }
0x125: {  	v5 =	vor.u32 v5, v6  }
0x126: {  	v6 =	vperm.xlane v5, v0;
	_ =	sdelay $0x1  }
0x127: {  	v6 =	vadd.s32 v1, v6;
	_ =	sdelay $0x3  }
0x128: {  	v5 =	vperm.xlane v5, v2  }
0x129: {  	[tilespmem:s12], [sflag:$0x2] =	stream.indirect_vreg.gather [hbm4b:s1+s3], $0x80, v6, vm0, $0xb8;
	[tilespmem:$0x1E200] =	vst v63  }
0x12a: {  	s16 =	simm.s32 $0xB800;
	v5 =	vadd.s32 v1, v5  }
0x12b: {  	[tilespmem:s16], [sflag:$0x2] =	stream.indirect_vreg.gather [hbm4b:s6+s3], $0x80, v6, vm0, $0xb8;
	[tilespmem:$0x1E200] =	vst v63  }
0x12c: {  	s20 =	simm.s32 $0xC000  }
0x12d: {  	[tilespmem:s20], [sflag:$0x2] =	stream.indirect_vreg.gather [hbm4b:s7+s3], $0x80, v6, vm0, $0xb8;
	[tilespmem:$0x1E200] =	vst v63  }
0x12e: {  	_ = 	snop  }
0x12f: {  	[tilespmem:s17], [sflag:$0x2] =	stream.indirect_vreg.gather [hbm4b:s1+s3], $0x80, v5, vm0, $0xb8;
	[tilespmem:$0x1E200] =	vst v63  }
0x130: {  	s2 =	simm.s32 $0xD000  }
0x131: {  	[tilespmem:s2], [sflag:$0x2] =	stream.indirect_vreg.gather [hbm4b:s6+s3], $0x80, v5, vm0, $0xb8;
	[tilespmem:$0x1E200] =	vst v63  }
0x132: {  	_ = 	snop  }
0x133: {  	[tilespmem:s18], [sflag:$0x2] =	stream.indirect_vreg.gather [hbm4b:s7+s3], $0x80, v5, vm0, $0xb8;
	[tilespmem:$0x1E200] =	vst v63  }
0x134: {  	v5 =	vld [tilespmem:$0x90];
	_ =	sdelay $0x4  }
0x135: {  	v6 =	vshrl.u32 v5, $0x3  }
0x136: {  	v6 =	vmul.u32 $0x30, v6  }
0x137: {  	v5 =	vand.u32 $0x7, v5  }
0x138: {  	v5 =	vor.u32 v5, v6  }
0x139: {  	v6 =	vperm.xlane v5, v0;
	_ =	sdelay $0x1  }
0x13a: {  	v6 =	vadd.s32 v1, v6;
	_ =	sdelay $0x3  }
0x13b: {  	s4 =	simm.s32 $0xE000;
	v5 =	vperm.xlane v5, v2  }
0x13c: {  	[tilespmem:s4], [sflag:$0x2] =	stream.indirect_vreg.gather [hbm4b:s1+s3], $0x80, v6, vm0, $0xb8;
	[tilespmem:$0x1E200] =	vst v63  }
0x13d: {  	s20 =	simm.s32 $0xE800;
	v5 =	vadd.s32 v1, v5  }
0x13e: {  	[tilespmem:s20], [sflag:$0x2] =	stream.indirect_vreg.gather [hbm4b:s6+s3], $0x80, v6, vm0, $0xb8;
	[tilespmem:$0x1E200] =	vst v63  }
0x13f: {  	_ = 	snop  }
0x140: {  	[tilespmem:s19], [sflag:$0x2] =	stream.indirect_vreg.gather [hbm4b:s7+s3], $0x80, v6, vm0, $0xb8;
	[tilespmem:$0x1E200] =	vst v63  }
0x141: {  	s2 =	simm.s32 $0xF800  }
0x142: {  	[tilespmem:s2], [sflag:$0x2] =	stream.indirect_vreg.gather [hbm4b:s1+s3], $0x80, v5, vm0, $0xb8;
	[tilespmem:$0x1E200] =	vst v63  }
0x143: {  	s4 =	simm.s32 $0x10000  }
0x144: {  	[tilespmem:s4], [sflag:$0x2] =	stream.indirect_vreg.gather [hbm4b:s6+s3], $0x80, v5, vm0, $0xb8;
	[tilespmem:$0x1E200] =	vst v63  }
0x145: {  	s20 =	simm.s32 $0x10800  }
0x146: {  	[tilespmem:s20], [sflag:$0x2] =	stream.indirect_vreg.gather [hbm4b:s7+s3], $0x80, v5, vm0, $0xb8;
	[tilespmem:$0x1E200] =	vst v63  }
0x147: {  	v5 =	vld [tilespmem:$0xA0];
	_ =	sdelay $0x4  }
0x148: {  	v6 =	vshrl.u32 v5, $0x3  }
0x149: {  	v6 =	vmul.u32 $0x30, v6  }
0x14a: {  	v5 =	vand.u32 $0x7, v5  }
0x14b: {  	v5 =	vor.u32 v5, v6  }
0x14c: {  	v6 =	vperm.xlane v5, v0;
	_ =	sdelay $0x1  }
0x14d: {  	v6 =	vadd.s32 v1, v6;
	_ =	sdelay $0x3  }
0x14e: {  	v5 =	vperm.xlane v5, v2  }
0x14f: {  	[tilespmem:s22], [sflag:$0x2] =	stream.indirect_vreg.gather [hbm4b:s1+s3], $0x80, v6, vm0, $0xb8;
	[tilespmem:$0x1E200] =	vst v63  }
0x150: {  	s31 =	simm.s32 $0x11800;
	v5 =	vadd.s32 v1, v5  }
0x151: {  	[tilespmem:s31], [sflag:$0x2] =	stream.indirect_vreg.gather [hbm4b:s6+s3], $0x80, v6, vm0, $0xb8;
	[tilespmem:$0x1E200] =	vst v63  }
0x152: {  	_ = 	snop  }
0x153: {  	[tilespmem:s10], [sflag:$0x2] =	stream.indirect_vreg.gather [hbm4b:s7+s3], $0x80, v6, vm0, $0xb8;
	[tilespmem:$0x1E200] =	vst v63  }
0x154: {  	s26 =	simm.s32 $0x12800  }
0x155: {  	[tilespmem:s26], [sflag:$0x2] =	stream.indirect_vreg.gather [hbm4b:s1+s3], $0x80, v5, vm0, $0xb8;
	[tilespmem:$0x1E200] =	vst v63  }
0x156: {  	_ = 	snop  }
0x157: {  	[tilespmem:s24], [sflag:$0x2] =	stream.indirect_vreg.gather [hbm4b:s6+s3], $0x80, v5, vm0, $0xb8;
	[tilespmem:$0x1E200] =	vst v63  }
0x158: {  	s23 =	simm.s32 $0x13800  }
0x159: {  	[tilespmem:s23], [sflag:$0x2] =	stream.indirect_vreg.gather [hbm4b:s7+s3], $0x80, v5, vm0, $0xb8;
	[tilespmem:$0x1E200] =	vst v63  }
0x15a: {  	v5 =	vld.msk [tilespmem:$0x1080], $0x3;
	_ =	sdelay $0x4  }
0x15b: {  	v6 =	vshrl.u32 v5, $0x3  }
0x15c: {  	v6 =	vmul.u32 $0x30, v6  }
0x15d: {  	v5 =	vand.u32 $0x7, v5  }
0x15e: {  	v5 =	vor.u32 v5, v6  }
0x15f: {  	v5 =	vperm.xlane v5, v3;
	_ =	sdelay $0x1  }
0x160: {  	v5 =	vadd.s32 v4, v5;
	_ =	sdelay $0x4  }
0x161: {  	[tilespmem:s25], [sflag:$0x2] =	stream.indirect_vreg.gather [hbm4b:s1+s3], $0x80, v5, vm1, $0xb8;
	[tilespmem:$0x1E200] =	vst v63  }
0x162: {  	v5 =	vld [tilespmem:$0x100];
	_ =	sdelay $0x4  }
0x163: {  	v6 =	vshrl.u32 v5, $0x3  }
0x164: {  	v6 =	vmul.u32 $0x30, v6  }
0x165: {  	v5 =	vand.u32 $0x7, v5  }
0x166: {  	v5 =	vor.u32 v5, v6  }
0x167: {  	v6 =	vperm.xlane v5, v0;
	_ =	sdelay $0x1  }
0x168: {  	v6 =	vadd.s32 v1, v6;
	_ =	sdelay $0x3  }
0x169: {  	s2 =	simm.s32 $0x14000;
	v5 =	vperm.xlane v5, v2  }
0x16a: {  	[tilespmem:s2], [sflag:$0x3] =	stream.indirect_vreg.gather [hbm4b:s1+s3], $0x80, v6, vm0, $0xb8;
	[tilespmem:$0x1E200] =	vst v63  }
0x16b: {  	s4 =	simm.s32 $0x14800;
	v5 =	vadd.s32 v1, v5  }
0x16c: {  	[tilespmem:s4], [sflag:$0x3] =	stream.indirect_vreg.gather [hbm4b:s6+s3], $0x80, v6, vm0, $0xb8;
	[tilespmem:$0x1E200] =	vst v63  }
0x16d: {  	s20 =	simm.s32 $0x15000  }
0x16e: {  	[tilespmem:s20], [sflag:$0x3] =	stream.indirect_vreg.gather [hbm4b:s7+s3], $0x80, v6, vm0, $0xb8;
	[tilespmem:$0x1E200] =	vst v63  }
0x16f: {  	s23 =	simm.s32 $0x15800  }
0x170: {  	[tilespmem:s23], [sflag:$0x3] =	stream.indirect_vreg.gather [hbm4b:s1+s3], $0x80, v5, vm0, $0xb8;
	[tilespmem:$0x1E200] =	vst v63  }
0x171: {  	s26 =	simm.s32 $0x16000  }
0x172: {  	[tilespmem:s26], [sflag:$0x3] =	stream.indirect_vreg.gather [hbm4b:s6+s3], $0x80, v5, vm0, $0xb8;
	[tilespmem:$0x1E200] =	vst v63  }
0x173: {  	s31 =	simm.s32 $0x16800  }
0x174: {  	[tilespmem:s31], [sflag:$0x3] =	stream.indirect_vreg.gather [hbm4b:s7+s3], $0x80, v5, vm0, $0xb8;
	[tilespmem:$0x1E200] =	vst v63  }
0x175: {  	v5 =	vld [tilespmem:$0x110];
	_ =	sdelay $0x4  }
0x176: {  	v6 =	vshrl.u32 v5, $0x3  }
0x177: {  	v6 =	vmul.u32 $0x30, v6  }
0x178: {  	v5 =	vand.u32 $0x7, v5  }
0x179: {  	v5 =	vor.u32 v5, v6  }
0x17a: {  	v6 =	vperm.xlane v5, v0;
	_ =	sdelay $0x1  }
0x17b: {  	v6 =	vadd.s32 v1, v6;
	_ =	sdelay $0x3  }
0x17c: {  	s2 =	simm.s32 $0x17000;
	v5 =	vperm.xlane v5, v2  }
0x17d: {  	[tilespmem:s2], [sflag:$0x3] =	stream.indirect_vreg.gather [hbm4b:s1+s3], $0x80, v6, vm0, $0xb8;
	[tilespmem:$0x1E200] =	vst v63  }
0x17e: {  	s4 =	simm.s32 $0x17800;
	v5 =	vadd.s32 v1, v5  }
0x17f: {  	[tilespmem:s4], [sflag:$0x3] =	stream.indirect_vreg.gather [hbm4b:s6+s3], $0x80, v6, vm0, $0xb8;
	[tilespmem:$0x1E200] =	vst v63  }
0x180: {  	s20 =	simm.s32 $0x18000  }
0x181: {  	[tilespmem:s20], [sflag:$0x3] =	stream.indirect_vreg.gather [hbm4b:s7+s3], $0x80, v6, vm0, $0xb8;
	[tilespmem:$0x1E200] =	vst v63  }
0x182: {  	s23 =	simm.s32 $0x18800  }
0x183: {  	[tilespmem:s23], [sflag:$0x3] =	stream.indirect_vreg.gather [hbm4b:s1+s3], $0x80, v5, vm0, $0xb8;
	[tilespmem:$0x1E200] =	vst v63  }
0x184: {  	s26 =	simm.s32 $0x19000  }
0x185: {  	[tilespmem:s26], [sflag:$0x3] =	stream.indirect_vreg.gather [hbm4b:s6+s3], $0x80, v5, vm0, $0xb8;
	[tilespmem:$0x1E200] =	vst v63  }
0x186: {  	s31 =	simm.s32 $0x19800  }
0x187: {  	[tilespmem:s31], [sflag:$0x3] =	stream.indirect_vreg.gather [hbm4b:s7+s3], $0x80, v5, vm0, $0xb8;
	[tilespmem:$0x1E200] =	vst v63  }
0x188: {  	v5 =	vld [tilespmem:$0x120];
	_ =	sdelay $0x4  }
0x189: {  	v6 =	vshrl.u32 v5, $0x3  }
0x18a: {  	v6 =	vmul.u32 $0x30, v6  }
0x18b: {  	v5 =	vand.u32 $0x7, v5  }
0x18c: {  	v5 =	vor.u32 v5, v6  }
0x18d: {  	v6 =	vperm.xlane v5, v0;
	_ =	sdelay $0x1  }
0x18e: {  	v6 =	vadd.s32 v1, v6;
	_ =	sdelay $0x3  }
0x18f: {  	s2 =	simm.s32 $0x1A000;
	v5 =	vperm.xlane v5, v2  }
0x190: {  	[tilespmem:s2], [sflag:$0x3] =	stream.indirect_vreg.gather [hbm4b:s1+s3], $0x80, v6, vm0, $0xb8;
	[tilespmem:$0x1E200] =	vst v63  }
0x191: {  	s4 =	simm.s32 $0x1A800;
	v5 =	vadd.s32 v1, v5  }
0x192: {  	[tilespmem:s4], [sflag:$0x3] =	stream.indirect_vreg.gather [hbm4b:s6+s3], $0x80, v6, vm0, $0xb8;
	[tilespmem:$0x1E200] =	vst v63  }
0x193: {  	s20 =	simm.s32 $0x1B000  }
0x194: {  	[tilespmem:s20], [sflag:$0x3] =	stream.indirect_vreg.gather [hbm4b:s7+s3], $0x80, v6, vm0, $0xb8;
	[tilespmem:$0x1E200] =	vst v63  }
0x195: {  	s23 =	simm.s32 $0x1B800  }
0x196: {  	[tilespmem:s23], [sflag:$0x3] =	stream.indirect_vreg.gather [hbm4b:s1+s3], $0x80, v5, vm0, $0xb8;
	[tilespmem:$0x1E200] =	vst v63  }
0x197: {  	s26 =	simm.s32 $0x1C000  }
0x198: {  	[tilespmem:s26], [sflag:$0x3] =	stream.indirect_vreg.gather [hbm4b:s6+s3], $0x80, v5, vm0, $0xb8;
	[tilespmem:$0x1E200] =	vst v63  }
0x199: {  	s31 =	simm.s32 $0x1C800  }
0x19a: {  	[tilespmem:s31], [sflag:$0x3] =	stream.indirect_vreg.gather [hbm4b:s7+s3], $0x80, v5, vm0, $0xb8;
	[tilespmem:$0x1E200] =	vst v63  }
0x19b: {  	v5 =	vld.msk [tilespmem:$0x1100], $0x3;
	_ =	sdelay $0x4  }
0x19c: {  	v6 =	vshrl.u32 v5, $0x3  }
0x19d: {  	v6 =	vmul.u32 $0x30, v6  }
0x19e: {  	v5 =	vand.u32 $0x7, v5  }
0x19f: {  	v5 =	vor.u32 v5, v6  }
0x1a0: {  	v5 =	vperm.xlane v5, v3;
	_ =	sdelay $0x1  }
0x1a1: {  	v5 =	vadd.s32 v4, v5;
	_ =	sdelay $0x3  }
0x1a2: {  	s0 =	simm.s32 $0x1280;
	s2 =	simm.s32 $0x2A0;
	s20 =	simm.s32 $0x0  }
0x1a3: {  	[tilespmem:s28], [sflag:$0x3] =	stream.indirect_vreg.gather [hbm4b:s1+s3], $0x80, v5, vm1, $0xb8;
	[tilespmem:$0x1E200] =	vst v63  }
.LBB2_2:
0x1a4: {  	s4 =	simm.s32 $0x1  }
0x1a5: {  	_ =	swait.ge [sflag:s4], $0x9000  }
0x1a6: {  	[sflag:s4] =	ssyncset.done $0x0  }
0x1a7: {  	[sflag:s4] =	ssyncadd.s32 $0xFFFF7000  }
0x1a8: {  	_ =	swait.ge [sflag:s4], $0x600  }
0x1a9: {  	s26 =	simm.s32 $0x2;
	[sflag:s4] =	ssyncset.done $0x0;
	s31 =	rddreg [dreg:$0xc]  }
0x1aa: {  	s23 =	rddreg [dreg:$0xd];
	[sflag:s4] =	ssyncadd.s32 $0xFFFFFA00;
	s4 =	sadd.s32 s20, s31  }
0x1ab: {  	[hbm4b:s4+s3] =	stream.linear.scatter [tilespmem:s21], [sflag:$0x4], $0x9000, $0x38;
	[tilespmem:$0x1E200] =	vst v63  }
0x1ac: {  	s31 =	simm.s32 $0x100;
	s4 =	sadd.s32 s20, s23;
	s23 =	simm.s32 $0x400  }
0x1ad: {  	[hbm4b:s4+s31] =	stream.strided.scatter [tilespmem:s11], [sflag:$0x4], $0x600, s23, s31, $0x38;
	[tilespmem:$0x1E200] =	vst v63  }
0x1ae: {  	_ =	swait.ge [sflag:s26], $0x9000  }
0x1af: {  	[sflag:s26] =	ssyncset.done $0x0  }
0x1b0: {  	[sflag:s26] =	ssyncadd.s32 $0xFFFF7000  }
0x1b1: {  	_ =	swait.ge [sflag:s26], $0x600  }
0x1b2: {  	[sflag:s26] =	ssyncset.done $0x0  }
0x1b3: {  	[sflag:s26] =	ssyncadd.s32 $0xFFFFFA00;
	s26 =	rddreg [dreg:$0xf]  }
0x1b4: {  	s4 =	sadd.s32 s20, s26;
	s26 =	rddreg [dreg:$0xe]  }
0x1b5: {  	[hbm4b:s4+s3] =	stream.linear.scatter [tilespmem:s12], [sflag:$0x5], $0x9000, $0x38;
	[tilespmem:$0x1E200] =	vst v63  }
0x1b6: {  	s4 =	sadd.s32 s20, s26;
	s26 =	simm.s32 $0x3  }
0x1b7: {  	[hbm4b:s4+s31] =	stream.strided.scatter [tilespmem:s25], [sflag:$0x5], $0x600, s23, s31, $0x38;
	[tilespmem:$0x1E200] =	vst v63  }
0x1b8: {  	_ =	swait.ge [sflag:s26], $0x9000  }
0x1b9: {  	[sflag:s26] =	ssyncset.done $0x0  }
0x1ba: {  	[sflag:s26] =	ssyncadd.s32 $0xFFFF7000  }
0x1bb: {  	_ =	swait.ge [sflag:s26], $0x600  }
0x1bc: {  	[sflag:s26] =	ssyncset.done $0x0  }
0x1bd: {  	[sflag:s26] =	ssyncadd.s32 $0xFFFFFA00;
	s26 =	rddreg [dreg:$0x11]  }
0x1be: {  	p0 =	seq.s32 s20, $0x23700;
	s4 =	sadd.s32 s20, s26;
	s26 =	simm.s32 $0x14000  }
0x1bf: {  	[hbm4b:s4+s3] =	stream.linear.scatter [tilespmem:s26], [sflag:$0x6], $0x9000, $0x38;
	[tilespmem:$0x1E200] =	vst v63  }
.Ltmp2:
0x1c0: {  	_ = 	snop;
	(pc) =	sbr.rel @p0 .LBB2_4-.Ltmp2, $4  }
0x1c1: {  	s26 =	rddreg [dreg:$0x10]  }
0x1c2: {  	s4 =	sadd.s32 s20, s26  }
0x1c3: {  	[hbm4b:s4+s31] =	stream.strided.scatter [tilespmem:s28], [sflag:$0x6], $0x600, s23, s31, $0x38;
	[tilespmem:$0x1E200] =	vst v63  }
0x1c4: {  	s4 =	simm.s32 $0x3000  }
0x1c5: {  	_ =	swait.ge [sflag:s29], $0x9000  }
0x1c6: {  	[sflag:s29] =	ssyncset.done $0x0  }
0x1c7: {  	[sflag:s29] =	ssyncadd.s32 $0xFFFF7000  }
0x1c8: {  	_ =	swait.ge [sflag:s29], $0x600  }
0x1c9: {  	[sflag:s29] =	ssyncset.done $0x0  }
0x1ca: {  	[sflag:s29] =	ssyncadd.s32 $0xFFFFFA00  }
0x1cb: {  	v5 =	vld [tilespmem:s2+$0xFFFFFEE0];
	_ =	sdelay $0x4  }
0x1cc: {  	v6 =	vshrl.u32 v5, $0x3  }
0x1cd: {  	v6 =	vmul.u32 $0x30, v6  }
0x1ce: {  	v5 =	vand.u32 $0x7, v5  }
0x1cf: {  	v5 =	vor.u32 v5, v6  }
0x1d0: {  	v6 =	vperm.xlane v5, v0;
	_ =	sdelay $0x1  }
0x1d1: {  	v6 =	vadd.s32 v1, v6;
	_ =	sdelay $0x3  }
0x1d2: {  	v5 =	vperm.xlane v5, v2  }
0x1d3: {  	[tilespmem:s21], [sflag:$0x1] =	stream.indirect_vreg.gather [hbm4b:s1+s3], $0x80, v6, vm0, $0xb8;
	[tilespmem:$0x1E200] =	vst v63  }
0x1d4: {  	s8 =	simm.s32 $0x2800;
	v5 =	vadd.s32 v1, v5  }
0x1d5: {  	[tilespmem:s8], [sflag:$0x1] =	stream.indirect_vreg.gather [hbm4b:s6+s3], $0x80, v6, vm0, $0xb8;
	[tilespmem:$0x1E200] =	vst v63  }
0x1d6: {  	_ = 	snop  }
0x1d7: {  	[tilespmem:s4], [sflag:$0x1] =	stream.indirect_vreg.gather [hbm4b:s7+s3], $0x80, v6, vm0, $0xb8;
	[tilespmem:$0x1E200] =	vst v63  }
0x1d8: {  	s21 =	simm.s32 $0x3800  }
0x1d9: {  	[tilespmem:s21], [sflag:$0x1] =	stream.indirect_vreg.gather [hbm4b:s1+s3], $0x80, v5, vm0, $0xb8;
	[tilespmem:$0x1E200] =	vst v63  }
0x1da: {  	s5 =	simm.s32 $0x4000  }
0x1db: {  	[tilespmem:s5], [sflag:$0x1] =	stream.indirect_vreg.gather [hbm4b:s6+s3], $0x80, v5, vm0, $0xb8;
	[tilespmem:$0x1E200] =	vst v63  }
0x1dc: {  	s22 =	simm.s32 $0x4800  }
0x1dd: {  	[tilespmem:s22], [sflag:$0x1] =	stream.indirect_vreg.gather [hbm4b:s7+s3], $0x80, v5, vm0, $0xb8;
	[tilespmem:$0x1E200] =	vst v63  }
0x1de: {  	v5 =	vld [tilespmem:s2+$0xFFFFFEF0];
	_ =	sdelay $0x4  }
0x1df: {  	v6 =	vshrl.u32 v5, $0x3  }
0x1e0: {  	v6 =	vmul.u32 $0x30, v6  }
0x1e1: {  	v5 =	vand.u32 $0x7, v5  }
0x1e2: {  	v5 =	vor.u32 v5, v6  }
0x1e3: {  	v6 =	vperm.xlane v5, v0;
	_ =	sdelay $0x1  }
0x1e4: {  	v6 =	vadd.s32 v1, v6;
	_ =	sdelay $0x3  }
0x1e5: {  	s8 =	simm.s32 $0x5000;
	v5 =	vperm.xlane v5, v2  }
0x1e6: {  	[tilespmem:s8], [sflag:$0x1] =	stream.indirect_vreg.gather [hbm4b:s1+s3], $0x80, v6, vm0, $0xb8;
	[tilespmem:$0x1E200] =	vst v63  }
0x1e7: {  	s23 =	simm.s32 $0x5800;
	v5 =	vadd.s32 v1, v5  }
0x1e8: {  	[tilespmem:s23], [sflag:$0x1] =	stream.indirect_vreg.gather [hbm4b:s6+s3], $0x80, v6, vm0, $0xb8;
	[tilespmem:$0x1E200] =	vst v63  }
0x1e9: {  	s5 =	simm.s32 $0x6000  }
0x1ea: {  	[tilespmem:s5], [sflag:$0x1] =	stream.indirect_vreg.gather [hbm4b:s7+s3], $0x80, v6, vm0, $0xb8;
	[tilespmem:$0x1E200] =	vst v63  }
0x1eb: {  	s9 =	simm.s32 $0x6800  }
0x1ec: {  	[tilespmem:s9], [sflag:$0x1] =	stream.indirect_vreg.gather [hbm4b:s1+s3], $0x80, v5, vm0, $0xb8;
	[tilespmem:$0x1E200] =	vst v63  }
0x1ed: {  	s9 =	simm.s32 $0x7000  }
0x1ee: {  	[tilespmem:s9], [sflag:$0x1] =	stream.indirect_vreg.gather [hbm4b:s6+s3], $0x80, v5, vm0, $0xb8;
	[tilespmem:$0x1E200] =	vst v63  }
0x1ef: {  	s13 =	simm.s32 $0x7800  }
0x1f0: {  	[tilespmem:s13], [sflag:$0x1] =	stream.indirect_vreg.gather [hbm4b:s7+s3], $0x80, v5, vm0, $0xb8;
	[tilespmem:$0x1E200] =	vst v63  }
0x1f1: {  	v5 =	vld [tilespmem:s2+$0xFFFFFF00];
	_ =	sdelay $0x4  }
0x1f2: {  	v6 =	vshrl.u32 v5, $0x3  }
0x1f3: {  	v6 =	vmul.u32 $0x30, v6  }
0x1f4: {  	v5 =	vand.u32 $0x7, v5  }
0x1f5: {  	v5 =	vor.u32 v5, v6  }
0x1f6: {  	v6 =	vperm.xlane v5, v0;
	_ =	sdelay $0x1  }
0x1f7: {  	v6 =	vadd.s32 v1, v6;
	_ =	sdelay $0x3  }
0x1f8: {  	s13 =	simm.s32 $0x8000;
	v5 =	vperm.xlane v5, v2  }
0x1f9: {  	[tilespmem:s13], [sflag:$0x1] =	stream.indirect_vreg.gather [hbm4b:s1+s3], $0x80, v6, vm0, $0xb8;
	[tilespmem:$0x1E200] =	vst v63  }
0x1fa: {  	s14 =	simm.s32 $0x8800;
	v5 =	vadd.s32 v1, v5  }
0x1fb: {  	[tilespmem:s14], [sflag:$0x1] =	stream.indirect_vreg.gather [hbm4b:s6+s3], $0x80, v6, vm0, $0xb8;
	[tilespmem:$0x1E200] =	vst v63  }
0x1fc: {  	s14 =	simm.s32 $0x9000  }
0x1fd: {  	[tilespmem:s14], [sflag:$0x1] =	stream.indirect_vreg.gather [hbm4b:s7+s3], $0x80, v6, vm0, $0xb8;
	[tilespmem:$0x1E200] =	vst v63  }
0x1fe: {  	s15 =	simm.s32 $0x9800  }
0x1ff: {  	[tilespmem:s15], [sflag:$0x1] =	stream.indirect_vreg.gather [hbm4b:s1+s3], $0x80, v5, vm0, $0xb8;
	[tilespmem:$0x1E200] =	vst v63  }
0x200: {  	s15 =	simm.s32 $0xA000  }
0x201: {  	[tilespmem:s15], [sflag:$0x1] =	stream.indirect_vreg.gather [hbm4b:s6+s3], $0x80, v5, vm0, $0xb8;
	[tilespmem:$0x1E200] =	vst v63  }
0x202: {  	s16 =	simm.s32 $0xA800  }
0x203: {  	[tilespmem:s16], [sflag:$0x1] =	stream.indirect_vreg.gather [hbm4b:s7+s3], $0x80, v5, vm0, $0xb8;
	[tilespmem:$0x1E200] =	vst v63  }
0x204: {  	v5 =	vld.msk [tilespmem:s0+$0xFFFFFF00], $0x3;
	_ =	sdelay $0x4  }
0x205: {  	v6 =	vshrl.u32 v5, $0x3  }
0x206: {  	v6 =	vmul.u32 $0x30, v6  }
0x207: {  	v5 =	vand.u32 $0x7, v5  }
0x208: {  	v5 =	vor.u32 v5, v6  }
0x209: {  	v5 =	vperm.xlane v5, v3;
	_ =	sdelay $0x1  }
0x20a: {  	v5 =	vadd.s32 v4, v5;
	_ =	sdelay $0x4  }
0x20b: {  	[tilespmem:s11], [sflag:$0x1] =	stream.indirect_vreg.gather [hbm4b:s1+s3], $0x80, v5, vm1, $0xb8;
	[tilespmem:$0x1E200] =	vst v63  }
0x20c: {  	_ =	swait.ge [sflag:s30], $0x9000  }
0x20d: {  	[sflag:s30] =	ssyncset.done $0x0  }
0x20e: {  	[sflag:s30] =	ssyncadd.s32 $0xFFFF7000  }
0x20f: {  	_ =	swait.ge [sflag:s30], $0x600  }
0x210: {  	[sflag:s30] =	ssyncset.done $0x0  }
0x211: {  	[sflag:s30] =	ssyncadd.s32 $0xFFFFFA00  }
0x212: {  	v5 =	vld [tilespmem:s2+$0xFFFFFF60];
	_ =	sdelay $0x4  }
0x213: {  	v6 =	vshrl.u32 v5, $0x3  }
0x214: {  	v6 =	vmul.u32 $0x30, v6  }
0x215: {  	v5 =	vand.u32 $0x7, v5  }
0x216: {  	v5 =	vor.u32 v5, v6  }
0x217: {  	v6 =	vperm.xlane v5, v0;
	_ =	sdelay $0x1  }
0x218: {  	v6 =	vadd.s32 v1, v6;
	_ =	sdelay $0x3  }
0x219: {  	v5 =	vperm.xlane v5, v2  }
0x21a: {  	[tilespmem:s12], [sflag:$0x2] =	stream.indirect_vreg.gather [hbm4b:s1+s3], $0x80, v6, vm0, $0xb8;
	[tilespmem:$0x1E200] =	vst v63  }
0x21b: {  	s16 =	simm.s32 $0xB800;
	v5 =	vadd.s32 v1, v5  }
0x21c: {  	[tilespmem:s16], [sflag:$0x2] =	stream.indirect_vreg.gather [hbm4b:s6+s3], $0x80, v6, vm0, $0xb8;
	[tilespmem:$0x1E200] =	vst v63  }
0x21d: {  	s17 =	simm.s32 $0xC000  }
0x21e: {  	[tilespmem:s17], [sflag:$0x2] =	stream.indirect_vreg.gather [hbm4b:s7+s3], $0x80, v6, vm0, $0xb8;
	[tilespmem:$0x1E200] =	vst v63  }
0x21f: {  	s17 =	simm.s32 $0xC800  }
0x220: {  	[tilespmem:s17], [sflag:$0x2] =	stream.indirect_vreg.gather [hbm4b:s1+s3], $0x80, v5, vm0, $0xb8;
	[tilespmem:$0x1E200] =	vst v63  }
0x221: {  	s18 =	simm.s32 $0xD000  }
0x222: {  	[tilespmem:s18], [sflag:$0x2] =	stream.indirect_vreg.gather [hbm4b:s6+s3], $0x80, v5, vm0, $0xb8;
	[tilespmem:$0x1E200] =	vst v63  }
0x223: {  	s18 =	simm.s32 $0xD800  }
0x224: {  	[tilespmem:s18], [sflag:$0x2] =	stream.indirect_vreg.gather [hbm4b:s7+s3], $0x80, v5, vm0, $0xb8;
	[tilespmem:$0x1E200] =	vst v63  }
0x225: {  	v5 =	vld [tilespmem:s2+$0xFFFFFF70];
	_ =	sdelay $0x4  }
0x226: {  	v6 =	vshrl.u32 v5, $0x3  }
0x227: {  	v6 =	vmul.u32 $0x30, v6  }
0x228: {  	v5 =	vand.u32 $0x7, v5  }
0x229: {  	v5 =	vor.u32 v5, v6  }
0x22a: {  	v6 =	vperm.xlane v5, v0;
	_ =	sdelay $0x1  }
0x22b: {  	v6 =	vadd.s32 v1, v6;
	_ =	sdelay $0x3  }
0x22c: {  	s24 =	simm.s32 $0xE000;
	v5 =	vperm.xlane v5, v2  }
0x22d: {  	[tilespmem:s24], [sflag:$0x2] =	stream.indirect_vreg.gather [hbm4b:s1+s3], $0x80, v6, vm0, $0xb8;
	[tilespmem:$0x1E200] =	vst v63  }
0x22e: {  	s19 =	simm.s32 $0xE800;
	v5 =	vadd.s32 v1, v5  }
0x22f: {  	[tilespmem:s19], [sflag:$0x2] =	stream.indirect_vreg.gather [hbm4b:s6+s3], $0x80, v6, vm0, $0xb8;
	[tilespmem:$0x1E200] =	vst v63  }
0x230: {  	s19 =	simm.s32 $0xF000  }
0x231: {  	[tilespmem:s19], [sflag:$0x2] =	stream.indirect_vreg.gather [hbm4b:s7+s3], $0x80, v6, vm0, $0xb8;
	[tilespmem:$0x1E200] =	vst v63  }
0x232: {  	s25 =	simm.s32 $0xF800  }
0x233: {  	[tilespmem:s25], [sflag:$0x2] =	stream.indirect_vreg.gather [hbm4b:s1+s3], $0x80, v5, vm0, $0xb8;
	[tilespmem:$0x1E200] =	vst v63  }
0x234: {  	s26 =	simm.s32 $0x10000  }
0x235: {  	[tilespmem:s26], [sflag:$0x2] =	stream.indirect_vreg.gather [hbm4b:s6+s3], $0x80, v5, vm0, $0xb8;
	[tilespmem:$0x1E200] =	vst v63  }
0x236: {  	s22 =	simm.s32 $0x10800  }
0x237: {  	[tilespmem:s22], [sflag:$0x2] =	stream.indirect_vreg.gather [hbm4b:s7+s3], $0x80, v5, vm0, $0xb8;
	[tilespmem:$0x1E200] =	vst v63  }
0x238: {  	v5 =	vld [tilespmem:s2+$0xFFFFFF80];
	_ =	sdelay $0x4  }
0x239: {  	v6 =	vshrl.u32 v5, $0x3  }
0x23a: {  	v6 =	vmul.u32 $0x30, v6  }
0x23b: {  	v5 =	vand.u32 $0x7, v5  }
0x23c: {  	v5 =	vor.u32 v5, v6  }
0x23d: {  	v6 =	vperm.xlane v5, v0;
	_ =	sdelay $0x1  }
0x23e: {  	v6 =	vadd.s32 v1, v6;
	_ =	sdelay $0x3  }
0x23f: {  	s22 =	simm.s32 $0x11000;
	v5 =	vperm.xlane v5, v2  }
0x240: {  	[tilespmem:s22], [sflag:$0x2] =	stream.indirect_vreg.gather [hbm4b:s1+s3], $0x80, v6, vm0, $0xb8;
	[tilespmem:$0x1E200] =	vst v63  }
0x241: {  	s10 =	simm.s32 $0x11800;
	v5 =	vadd.s32 v1, v5  }
0x242: {  	[tilespmem:s10], [sflag:$0x2] =	stream.indirect_vreg.gather [hbm4b:s6+s3], $0x80, v6, vm0, $0xb8;
	[tilespmem:$0x1E200] =	vst v63  }
0x243: {  	s10 =	simm.s32 $0x12000  }
0x244: {  	[tilespmem:s10], [sflag:$0x2] =	stream.indirect_vreg.gather [hbm4b:s7+s3], $0x80, v6, vm0, $0xb8;
	[tilespmem:$0x1E200] =	vst v63  }
0x245: {  	s24 =	simm.s32 $0x12800  }
0x246: {  	[tilespmem:s24], [sflag:$0x2] =	stream.indirect_vreg.gather [hbm4b:s1+s3], $0x80, v5, vm0, $0xb8;
	[tilespmem:$0x1E200] =	vst v63  }
0x247: {  	s24 =	simm.s32 $0x13000  }
0x248: {  	[tilespmem:s24], [sflag:$0x2] =	stream.indirect_vreg.gather [hbm4b:s6+s3], $0x80, v5, vm0, $0xb8;
	[tilespmem:$0x1E200] =	vst v63  }
0x249: {  	s25 =	simm.s32 $0x13800  }
0x24a: {  	[tilespmem:s25], [sflag:$0x2] =	stream.indirect_vreg.gather [hbm4b:s7+s3], $0x80, v5, vm0, $0xb8;
	[tilespmem:$0x1E200] =	vst v63  }
0x24b: {  	v5 =	vld.msk [tilespmem:s0+$0xFFFFFF80], $0x3;
	_ =	sdelay $0x4  }
0x24c: {  	v6 =	vshrl.u32 v5, $0x3  }
0x24d: {  	v6 =	vmul.u32 $0x30, v6  }
0x24e: {  	v5 =	vand.u32 $0x7, v5  }
0x24f: {  	v5 =	vor.u32 v5, v6  }
0x250: {  	v5 =	vperm.xlane v5, v3;
	_ =	sdelay $0x1  }
0x251: {  	v5 =	vadd.s32 v4, v5;
	_ =	sdelay $0x3  }
0x252: {  	s23 =	simm.s32 $0x6;
	s25 =	simm.s32 $0x1D600  }
0x253: {  	[tilespmem:s25], [sflag:$0x2] =	stream.indirect_vreg.gather [hbm4b:s1+s3], $0x80, v5, vm1, $0xb8;
	[tilespmem:$0x1E200] =	vst v63  }
0x254: {  	_ =	swait.ge [sflag:s23], $0x9000  }
0x255: {  	[sflag:s23] =	ssyncset.done $0x0  }
0x256: {  	[sflag:s23] =	ssyncadd.s32 $0xFFFF7000  }
0x257: {  	_ =	swait.ge [sflag:s23], $0x600  }
0x258: {  	[sflag:s23] =	ssyncset.done $0x0  }
0x259: {  	[sflag:s23] =	ssyncadd.s32 $0xFFFFFA00  }
0x25a: {  	v5 =	vld [tilespmem:s2+$0xFFFFFFE0];
	_ =	sdelay $0x4  }
0x25b: {  	v6 =	vshrl.u32 v5, $0x3  }
0x25c: {  	v6 =	vmul.u32 $0x30, v6  }
0x25d: {  	v5 =	vand.u32 $0x7, v5  }
0x25e: {  	v5 =	vor.u32 v5, v6  }
0x25f: {  	v6 =	vperm.xlane v5, v0;
	_ =	sdelay $0x1  }
0x260: {  	v6 =	vadd.s32 v1, v6;
	_ =	sdelay $0x3  }
0x261: {  	s31 =	simm.s32 $0x14000;
	v5 =	vperm.xlane v5, v2  }
0x262: {  	[tilespmem:s31], [sflag:$0x3] =	stream.indirect_vreg.gather [hbm4b:s1+s3], $0x80, v6, vm0, $0xb8;
	[tilespmem:$0x1E200] =	vst v63  }
0x263: {  	s28 =	simm.s32 $0x14800;
	v5 =	vadd.s32 v1, v5  }
0x264: {  	[tilespmem:s28], [sflag:$0x3] =	stream.indirect_vreg.gather [hbm4b:s6+s3], $0x80, v6, vm0, $0xb8;
	[tilespmem:$0x1E200] =	vst v63  }
0x265: {  	s28 =	simm.s32 $0x15000  }
0x266: {  	[tilespmem:s28], [sflag:$0x3] =	stream.indirect_vreg.gather [hbm4b:s7+s3], $0x80, v6, vm0, $0xb8;
	[tilespmem:$0x1E200] =	vst v63  }
0x267: {  	s28 =	simm.s32 $0x15800  }
0x268: {  	[tilespmem:s28], [sflag:$0x3] =	stream.indirect_vreg.gather [hbm4b:s1+s3], $0x80, v5, vm0, $0xb8;
	[tilespmem:$0x1E200] =	vst v63  }
0x269: {  	s28 =	simm.s32 $0x16000  }
0x26a: {  	[tilespmem:s28], [sflag:$0x3] =	stream.indirect_vreg.gather [hbm4b:s6+s3], $0x80, v5, vm0, $0xb8;
	[tilespmem:$0x1E200] =	vst v63  }
0x26b: {  	s28 =	simm.s32 $0x16800  }
0x26c: {  	[tilespmem:s28], [sflag:$0x3] =	stream.indirect_vreg.gather [hbm4b:s7+s3], $0x80, v5, vm0, $0xb8;
	[tilespmem:$0x1E200] =	vst v63  }
0x26d: {  	v5 =	vld [tilespmem:s2+$0xFFFFFFF0];
	_ =	sdelay $0x4  }
0x26e: {  	v6 =	vshrl.u32 v5, $0x3  }
0x26f: {  	v6 =	vmul.u32 $0x30, v6  }
0x270: {  	v5 =	vand.u32 $0x7, v5  }
0x271: {  	v5 =	vor.u32 v5, v6  }
0x272: {  	v6 =	vperm.xlane v5, v0;
	_ =	sdelay $0x1  }
0x273: {  	v6 =	vadd.s32 v1, v6;
	_ =	sdelay $0x3  }
0x274: {  	s28 =	simm.s32 $0x17000;
	v5 =	vperm.xlane v5, v2  }
0x275: {  	[tilespmem:s28], [sflag:$0x3] =	stream.indirect_vreg.gather [hbm4b:s1+s3], $0x80, v6, vm0, $0xb8;
	[tilespmem:$0x1E200] =	vst v63  }
0x276: {  	v5 =	vadd.s32 v1, v5;
	s28 =	simm.s32 $0x17800  }
0x277: {  	[tilespmem:s28], [sflag:$0x3] =	stream.indirect_vreg.gather [hbm4b:s6+s3], $0x80, v6, vm0, $0xb8;
	[tilespmem:$0x1E200] =	vst v63  }
0x278: {  	s28 =	simm.s32 $0x18000  }
0x279: {  	[tilespmem:s28], [sflag:$0x3] =	stream.indirect_vreg.gather [hbm4b:s7+s3], $0x80, v6, vm0, $0xb8;
	[tilespmem:$0x1E200] =	vst v63  }
0x27a: {  	s28 =	simm.s32 $0x18800  }
0x27b: {  	[tilespmem:s28], [sflag:$0x3] =	stream.indirect_vreg.gather [hbm4b:s1+s3], $0x80, v5, vm0, $0xb8;
	[tilespmem:$0x1E200] =	vst v63  }
0x27c: {  	s28 =	simm.s32 $0x19000  }
0x27d: {  	[tilespmem:s28], [sflag:$0x3] =	stream.indirect_vreg.gather [hbm4b:s6+s3], $0x80, v5, vm0, $0xb8;
	[tilespmem:$0x1E200] =	vst v63  }
0x27e: {  	s28 =	simm.s32 $0x19800  }
0x27f: {  	[tilespmem:s28], [sflag:$0x3] =	stream.indirect_vreg.gather [hbm4b:s7+s3], $0x80, v5, vm0, $0xb8;
	[tilespmem:$0x1E200] =	vst v63  }
0x280: {  	v5 =	vld [tilespmem:s2+$0x0];
	_ =	sdelay $0x4  }
0x281: {  	v6 =	vshrl.u32 v5, $0x3  }
0x282: {  	v6 =	vmul.u32 $0x30, v6  }
0x283: {  	v5 =	vand.u32 $0x7, v5  }
0x284: {  	v5 =	vor.u32 v5, v6  }
0x285: {  	v6 =	vperm.xlane v5, v0;
	_ =	sdelay $0x1  }
0x286: {  	v6 =	vadd.s32 v1, v6;
	_ =	sdelay $0x3  }
0x287: {  	s28 =	simm.s32 $0x1A000;
	v5 =	vperm.xlane v5, v2  }
0x288: {  	[tilespmem:s28], [sflag:$0x3] =	stream.indirect_vreg.gather [hbm4b:s1+s3], $0x80, v6, vm0, $0xb8;
	[tilespmem:$0x1E200] =	vst v63  }
0x289: {  	v5 =	vadd.s32 v1, v5;
	s28 =	simm.s32 $0x1A800  }
0x28a: {  	[tilespmem:s28], [sflag:$0x3] =	stream.indirect_vreg.gather [hbm4b:s6+s3], $0x80, v6, vm0, $0xb8;
	[tilespmem:$0x1E200] =	vst v63  }
0x28b: {  	s28 =	simm.s32 $0x1B000  }
0x28c: {  	[tilespmem:s28], [sflag:$0x3] =	stream.indirect_vreg.gather [hbm4b:s7+s3], $0x80, v6, vm0, $0xb8;
	[tilespmem:$0x1E200] =	vst v63  }
0x28d: {  	s28 =	simm.s32 $0x1B800  }
0x28e: {  	[tilespmem:s28], [sflag:$0x3] =	stream.indirect_vreg.gather [hbm4b:s1+s3], $0x80, v5, vm0, $0xb8;
	[tilespmem:$0x1E200] =	vst v63  }
0x28f: {  	s28 =	simm.s32 $0x1C000  }
0x290: {  	[tilespmem:s28], [sflag:$0x3] =	stream.indirect_vreg.gather [hbm4b:s6+s3], $0x80, v5, vm0, $0xb8;
	[tilespmem:$0x1E200] =	vst v63  }
0x291: {  	s28 =	simm.s32 $0x1C800  }
0x292: {  	[tilespmem:s28], [sflag:$0x3] =	stream.indirect_vreg.gather [hbm4b:s7+s3], $0x80, v5, vm0, $0xb8;
	[tilespmem:$0x1E200] =	vst v63  }
0x293: {  	v5 =	vld.msk [tilespmem:s0+$0x0], $0x3;
	_ =	sdelay $0x4  }
0x294: {  	v6 =	vshrl.u32 v5, $0x3  }
0x295: {  	v6 =	vmul.u32 $0x30, v6  }
0x296: {  	v5 =	vand.u32 $0x7, v5  }
0x297: {  	v5 =	vor.u32 v5, v6  }
0x298: {  	v5 =	vperm.xlane v5, v3  }
0x299: {  	s20 =	sadd.s32 $0x3F00, s20  }
0x29a: {  	p0 =	sne.s32 s20, $0x27600;
	v5 =	vadd.s32 v4, v5  }
.Ltmp3:
0x29b: {  	_ = 	snop;
	(pc) =	sbr.rel @p0 .LBB2_2-.Ltmp3, $4  }
.Ltmp4:
0x29c: {  	_ = 	snop;
	(pc) =	sbr.rel @!p0 .LBB2_4-.Ltmp4, $4  }
0x29d: {  	s21 =	simm.s32 $0x2000;
	s11 =	simm.s32 $0x1D000;
	s12 =	simm.s32 $0xB000  }
0x29e: {  	s2 =	sadd.s32 $0x180, s2;
	s28 =	simm.s32 $0x1DC00;
	s0 =	sadd.s32 $0x180, s0  }
0x29f: {  	[tilespmem:s28], [sflag:$0x3] =	stream.indirect_vreg.gather [hbm4b:s1+s3], $0x80, v5, vm1, $0xb8;
	[tilespmem:$0x1E200] =	vst v63  }
0x2a0: {  	_ = 	snop  }
.LBB2_5:
0x2a1: {  	_ =	sfence.sel $0x180000  }
0x2a2: {  	[bflag:$0x0] =	sbarrier.arrive $0xFFFF  }
0x2a3: {  	_ =	strace $0x90000047  }
0x2a4: {  	s0 =	stileid.u32;
	[bflag:$0x2] =	sbarrier.arrive $0xFFFF  }
0x2a5: {  	p0 =	sne.s32 s0, $0x0;
	s0 =	rddreg [dreg:$0x4]  }
0x2a6: {  	s0 =	sadd.s32 @!p0 $0x100000, s0  }
0x2a7: {  	[sflag:s0] =	ssyncadd.tile.s32 @!p0 $0x1;
	_ =	shalt  }
.Lfunc_end2:
_tile_overlayer_lowered:
.L_overlay_start_2:
0x2a8: {  	(tag) =	ssettag $0x2  }
0x2a9: {  	s0 =	rddreg [dreg:$0x0];
	s2 =	stileid.u32  }
0x2aa: {  	s1 =	rddreg [dreg:$0x1];
	p0 =	sne.s32 s2, $0x0  }
0x2ab: {  	s3 =	rddreg [dreg:$0x2];
	[bflag:$0x3] =	sbarrier.arrive $0xFFFF;
	s2 =	simm.s32 @!p0 $0x1C07  }
0x2ac: {  	[timem:s3], [sflag:s2] =	dma.local @!p0 [hbm:s0], s1  }
0x2ad: {  	s0 =	simm.s32 @!p0 $0x7  }
0x2ae: {  	_ =	swait.ge @!p0 [sflag:s0], s1  }
0x2af: {  	s1 =	ssub.s32 @!p0 $0x0, s1;
	[sflag:s0] =	ssyncset.done @!p0 $0x0  }
0x2b0: {  	[sflag:s0] =	ssyncadd.s32 @!p0 s1  }
0x2b1: {  	[bflag:$0x3] =	sbarrier.arrive $0xFFFF  }
0x2b2: {  	_ =	shalt  }

</sc_bundles>
